<compile_context>
chip_gen: v7x
topology: tpu7x:2x2x1
jax: 0.10.2.dev20260603
libtpu: 0.0.44.dev20260713+nightly
codegen_flags: <defaults>
</compile_context>

<pallas_src>
import functools

import jax
import jax.numpy as jnp
from jax import lax
from jax.experimental import pallas as pl
from jax.experimental.pallas import tpu as pltpu
from jax.experimental.pallas import tpu_sc as plsc

N = 10000
D = 128
E = 320000
NP = 10240
DUMMY = N
NC = 2
NS = 16
NW = NC * NS
CH = 128
CPW = 79
EPW = CH * CPW
EP = EPW * NW
RPT = NP // NS
ZR = 64
R = 2048

_sc_mesh = plsc.VectorSubcoreMesh(
    core_axis_name="c", subcore_axis_name="s", num_cores=NC, num_subcores=NS
)
_sc_params = pltpu.CompilerParams(needs_layout_passes=False)


@functools.partial(
    pl.kernel,
    out_type=jax.ShapeDtypeStruct((NW, NP), jnp.float32),
    mesh=_sc_mesh,
    compiler_params=_sc_params,
    scratch_types=[
        pltpu.VMEM((CH,), jnp.int32),
        pltpu.VMEM((NP,), jnp.float32),
    ],
)
def _deg_kernel(dst_hbm, out_hbm, dstv, deg):
    c = lax.axis_index("c")
    s = lax.axis_index("s")
    wid = c * NS + s

    def zero_body(k, carry):
        deg[pl.ds(k * 16, 16)] = jnp.zeros((16,), jnp.float32)
        return carry

    lax.fori_loop(0, NP // 16, zero_body, None)

    ones = jnp.full((16,), 1.0, jnp.float32)

    def chunk(j, carry):
        off = wid * EPW + j * CH
        pltpu.sync_copy(dst_hbm.at[pl.ds(off, CH)], dstv)

        def inner(t, icarry):
            idx = dstv[pl.ds(t * 16, 16)]
            plsc.addupdate_scatter(deg, [idx], ones)
            return icarry

        lax.fori_loop(0, CH // 16, inner, None)
        return carry

    lax.fori_loop(0, CPW, chunk, None)
    pltpu.sync_copy(deg, out_hbm.at[wid])


@functools.partial(
    pl.kernel,
    out_type=jax.ShapeDtypeStruct((NC, NP, D), jnp.float32),
    mesh=_sc_mesh,
    compiler_params=_sc_params,
    scratch_types=[
        pltpu.VMEM((CH,), jnp.int32),
        pltpu.VMEM((CH,), jnp.int32),
        pltpu.VMEM((CH, D), jnp.float32),
        pltpu.VMEM((ZR, D), jnp.float32),
        pltpu.VMEM_SHARED((NP, D), jnp.float32),
        pltpu.SemaphoreType.DMA,
    ],
)
def _agg_kernel(y_hbm, src_hbm, dst_hbm, out_hbm, srcv, dstv, rows, zbuf, acc, sem):
    c = lax.axis_index("c")
    s = lax.axis_index("s")
    wid = c * NS + s

    def zrow(i, carry):
        def zlane(t, icarry):
            zbuf[i, pl.ds(t * 16, 16)] = jnp.zeros((16,), jnp.float32)
            return icarry

        lax.fori_loop(0, D // 16, zlane, None)
        return carry

    lax.fori_loop(0, ZR, zrow, None)

    r0 = s * RPT

    def zcopy(z, carry):
        pltpu.sync_copy(zbuf, acc.at[pl.ds(r0 + z * ZR, ZR)])
        return carry

    lax.fori_loop(0, RPT // ZR, zcopy, None)
    plsc.subcore_barrier()

    def chunk(j, carry):
        off = wid * EPW + j * CH
        pltpu.sync_copy(src_hbm.at[pl.ds(off, CH)], srcv)
        pltpu.sync_copy(dst_hbm.at[pl.ds(off, CH)], dstv)
        pltpu.async_copy(y_hbm.at[srcv], rows, sem).wait()
        pltpu.sync_copy(rows, acc.at[dstv], add=True)
        return carry

    lax.fori_loop(0, CPW, chunk, None)
    plsc.subcore_barrier()
    pl.delay(4096)
    plsc.subcore_barrier()
    pltpu.sync_copy(acc.at[pl.ds(r0, RPT)], out_hbm.at[c, pl.ds(r0, RPT)])


def _t1_body(x_ref, w_ref, dp_ref, y_ref):
    d = lax.rsqrt(jnp.sum(dp_ref[...], axis=0) + 1.0)
    xw = jnp.dot(x_ref[...], w_ref[...], preferred_element_type=jnp.float32)
    y_ref[...] = xw * d[:, None]


_t1 = pl.pallas_call(
    _t1_body,
    grid=(NP // R,),
    in_specs=[
        pl.BlockSpec((R, D), lambda i: (i, 0)),
        pl.BlockSpec((D, D), lambda i: (0, 0)),
        pl.BlockSpec((NW, R), lambda i: (0, i)),
    ],
    out_specs=pl.BlockSpec((R, D), lambda i: (i, 0)),
    out_shape=jax.ShapeDtypeStruct((NP, D), jnp.float32),
)


def _t2_body(a0_ref, a1_ref, y_ref, dp_ref, b_ref, w_ref, out_ref):
    d = lax.rsqrt(jnp.sum(dp_ref[...], axis=0) + 1.0)
    h = d[:, None] * (a0_ref[...] + a1_ref[...] + y_ref[...]) + b_ref[...]
    h = jnp.maximum(h, 0.0)
    out_ref[...] = (
        jnp.dot(h, w_ref[...], preferred_element_type=jnp.float32) * d[:, None]
    )


_t2 = pl.pallas_call(
    _t2_body,
    grid=(NP // R,),
    in_specs=[
        pl.BlockSpec((R, D), lambda i: (i, 0)),
        pl.BlockSpec((R, D), lambda i: (i, 0)),
        pl.BlockSpec((R, D), lambda i: (i, 0)),
        pl.BlockSpec((NW, R), lambda i: (0, i)),
        pl.BlockSpec((1, D), lambda i: (0, 0)),
        pl.BlockSpec((D, D), lambda i: (0, 0)),
    ],
    out_specs=pl.BlockSpec((R, D), lambda i: (i, 0)),
    out_shape=jax.ShapeDtypeStruct((NP, D), jnp.float32),
)


def _t3_body(a0_ref, a1_ref, y_ref, dp_ref, b_ref, out_ref):
    d = lax.rsqrt(jnp.sum(dp_ref[...], axis=0) + 1.0)
    o = d[:, None] * (a0_ref[...] + a1_ref[...] + y_ref[...]) + b_ref[...]
    out_ref[...] = jnp.maximum(o, 0.0)


_t3 = pl.pallas_call(
    _t3_body,
    grid=(NP // R,),
    in_specs=[
        pl.BlockSpec((R, D), lambda i: (i, 0)),
        pl.BlockSpec((R, D), lambda i: (i, 0)),
        pl.BlockSpec((R, D), lambda i: (i, 0)),
        pl.BlockSpec((NW, R), lambda i: (0, i)),
        pl.BlockSpec((1, D), lambda i: (0, 0)),
    ],
    out_specs=pl.BlockSpec((R, D), lambda i: (i, 0)),
    out_shape=jax.ShapeDtypeStruct((NP, D), jnp.float32),
)


def kernel(x, edge_index, W1, b1, W2, b2):
    src = edge_index[0]
    dst = edge_index[1]
    padn = EP - E
    pad_idx = jnp.full((padn,), DUMMY, jnp.int32)
    src_p = jnp.concatenate([src, pad_idx])
    dst_p = jnp.concatenate([dst, pad_idx])
    x_p = jnp.pad(x, ((0, NP - N), (0, 0)))
    b1r = b1.reshape(1, D)
    b2r = b2.reshape(1, D)

    deg_part = _deg_kernel(dst_p)
    y1 = _t1(x_p, W1, deg_part)
    acc1 = _agg_kernel(y1, src_p, dst_p)
    y2 = _t2(acc1[0], acc1[1], y1, deg_part, b1r, W2)
    acc2 = _agg_kernel(y2, src_p, dst_p)
    out = _t3(acc2[0], acc2[1], y2, deg_part, b2r)
    return out[:N]

# --- scband reference (transcript-rebuilt; emitter-appended) ---
"""Pipeline reference for scband-gcn-2-l-15857019257144 (READ-ONLY COPY).

The authoritative reference and input builder live on the scoring server;
editing this copy changes nothing except your own understanding.
"""

import jax, jax.numpy as jnp
import numpy as np

N = 10000
D_IN = 128
H = 128
D_OUT = 128
E = 320000


def setup_inputs(seed: int = 0) -> dict:
    key = jax.random.key(seed)
    k1, k2, k3, k4, k5, k6 = jax.random.split(key, 6)
    x = jax.random.normal(k1, (N, D_IN), dtype=jnp.float32)
    edge_index = jax.random.randint(k2, (2, E), 0, N, dtype=jnp.int32)
    W1 = jax.random.normal(k3, (D_IN, H), dtype=jnp.float32) * (1.0 / np.sqrt(D_IN))
    b1 = jnp.zeros((H,), dtype=jnp.float32)
    W2 = jax.random.normal(k4, (H, D_OUT), dtype=jnp.float32) * (1.0 / np.sqrt(H))
    b2 = jnp.zeros((D_OUT,), dtype=jnp.float32)
    return {"x": x, "edge_index": edge_index, "W1": W1, "b1": b1, "W2": W2, "b2": b2}


def _gcn_conv(x, edge_index, W, b, n_nodes):
    # GCNConv: add self-loops, symmetric normalization D^-1/2 (A+I) D^-1/2, then linear
    src = edge_index[0]
    dst = edge_index[1]
    loop = jnp.arange(n_nodes, dtype=src.dtype)
    src = jnp.concatenate([src, loop])
    dst = jnp.concatenate([dst, loop])
    deg = jnp.zeros((n_nodes,), dtype=x.dtype).at[dst].add(jnp.ones_like(dst, dtype=x.dtype))
    deg_inv_sqrt = jnp.where(deg > 0, 1.0 / jnp.sqrt(deg), 0.0)
    norm = deg_inv_sqrt[src] * deg_inv_sqrt[dst]
    xw = x @ W
    msgs = xw[src] * norm[:, None]
    out = jnp.zeros((n_nodes, W.shape[1]), dtype=x.dtype).at[dst].add(msgs)
    return out + b


def reference(x, edge_index, W1, b1, W2, b2):
    h = _gcn_conv(x, edge_index, W1, b1, N)
    h = jax.nn.relu(h)
    out = _gcn_conv(h, edge_index, W2, b2, N)
    out = jax.nn.relu(out)
    return out

if __name__ == "__main__":
    import jax
    _d = setup_inputs()
    print(jax.jit(kernel)(*tuple(_d.values())))

</pallas_src>

<mosaic_0001>
#map = affine_map<(d0, d1) -> (0, 0)>
#map1 = affine_map<(d0, d1) -> (0)>
#map2 = affine_map<(d0, d1) -> (0, 0, 0)>
module attributes {stable_mosaic.version = 14 : i64} {
  func.func @_agg_kernel(%arg0: i32, %arg1: i32, %arg2: memref<10240x128xf32, #tpu.memory_space<hbm>>, %arg3: memref<323584xi32, #tpu.memory_space<hbm>>, %arg4: memref<323584xi32, #tpu.memory_space<hbm>>, %arg5: memref<2x10240x128xf32, #tpu.memory_space<hbm>>, %arg6: memref<128xi32, #tpu.memory_space<vmem>>, %arg7: memref<128xi32, #tpu.memory_space<vmem>>, %arg8: memref<128x128xf32, #tpu.memory_space<vmem>>, %arg9: memref<64x128xf32, #tpu.memory_space<vmem>>, %arg10: memref<10240x128xf32, #tpu.memory_space<vmem_shared>>, %arg11: memref<!tpu.dma_semaphore, #tpu.memory_space<semaphore_mem>>) attributes {dimension_semantics = [#tpu.dimension_semantics<core_parallel>, #tpu.dimension_semantics<subcore_parallel>], iteration_bounds = array<i64: 2, 16>, scalar_prefetch = 0 : i64, scratch_operands = 6 : i64, tpu.core_type = #tpu.core_type<sc_vector_subcore>, window_params = [{transform_indices = #map}, {transform_indices = #map1}, {transform_indices = #map1}, {transform_indices = #map2}]} {
    %mul3A = arith.constant 16 : i32
    %mul3A_0 = arith.muli %arg0, %mul3A : i32
    %add3A = arith.addi %mul3A_0, %arg1 : i32
    %scan3A = arith.constant 0 : i32
    %scan3A_1 = arith.constant 64 : i32
    %scan3A_2 = arith.addi %scan3A, %scan3A_1 : i32
    %scan3A_3 = arith.constant 1 : i32
    scf.for %scan3A_19 = %scan3A to %scan3A_2 step %scan3A_3  : i32 {
      %scan3A_20 = arith.constant 0 : i32
      %scan3A_21 = arith.constant 8 : i32
      %scan3A_22 = arith.addi %scan3A_20, %scan3A_21 : i32
      %scan3A_23 = arith.constant 1 : i32
      scf.for %scan3A_25 = %scan3A_20 to %scan3A_22 step %scan3A_23  : i32 {
        %broadcast_in_dim3A = arith.constant 0.000000e+00 : f32
        %broadcast_in_dim3A_26 = vector.broadcast %broadcast_in_dim3A : f32 to vector<16xf32>
        %mul3A_27 = arith.constant 16 : i32
        %mul3A_28 = arith.muli %scan3A_25, %mul3A_27 : i32
        %swap3A = arith.index_cast %scan3A_19 : i32 to index
        %swap3A_29 = arith.index_cast %mul3A_28 : i32 to index
        %swap3A_30 = tpu.vector_load %arg9[%swap3A, %swap3A_29] {strides = array<i32>} : memref<64x128xf32, #tpu.memory_space<vmem>>, vector<16xf32>,
        tpu.vector_store %arg9[%swap3A, %swap3A_29], %broadcast_in_dim3A_26 {strides = array<i32>} : memref<64x128xf32, #tpu.memory_space<vmem>>, vector<16xf32>,
      }
      %scan3A_24 = arith.constant 8 : i32
    }
    %scan3A_4 = arith.constant 64 : i32
    %mul3A_5 = arith.constant 640 : i32
    %mul3A_6 = arith.muli %arg1, %mul3A_5 : i32
    %scan3A_7 = arith.constant 0 : i32
    %scan3A_8 = arith.constant 10 : i32
    %scan3A_9 = arith.addi %scan3A_7, %scan3A_8 : i32
    %scan3A_10 = arith.constant 1 : i32
    scf.for %scan3A_19 = %scan3A_7 to %scan3A_9 step %scan3A_10  : i32 {
      %mul3A_20 = arith.constant 64 : i32
      %mul3A_21 = arith.muli %scan3A_19, %mul3A_20 : i32
      %add3A_22 = arith.addi %mul3A_6, %mul3A_21 : i32
      "tpu.region"() ({
        %run_scoped3A = tpu.sem_alloc : memref<!tpu.dma_semaphore, #tpu.memory_space<semaphore_mem>>
        %dma_start3A = arith.constant 0 : i32
        %dma_start3A_23 = tpu.memref_slice %arg10[%add3A_22, %dma_start3A] : memref<10240x128xf32, #tpu.memory_space<vmem_shared>> -> memref<64x128xf32, #tpu.memory_space<vmem_shared>>
        %dma_start3A_24 = arith.constant 0 : i32
        %dma_start3A_25 = tpu.memref_slice %arg10[%add3A_22, %dma_start3A_24] : memref<10240x128xf32, #tpu.memory_space<vmem_shared>> -> memref<64x128xf32, #tpu.memory_space<vmem_shared>>
        tpu.enqueue_dma source(%arg9 : memref<64x128xf32, #tpu.memory_space<vmem>>) target(%dma_start3A_25 : memref<64x128xf32, #tpu.memory_space<vmem_shared>>) target_semaphore(%run_scoped3A : memref<!tpu.dma_semaphore, #tpu.memory_space<semaphore_mem>>)
        %dma_wait3A = arith.constant 0 : i32
        %dma_wait3A_26 = tpu.memref_slice %arg10[%add3A_22, %dma_wait3A] : memref<10240x128xf32, #tpu.memory_space<vmem_shared>> -> memref<64x128xf32, #tpu.memory_space<vmem_shared>>
        %dma_wait3A_27 = arith.constant 0 : i32
        %dma_wait3A_28 = tpu.memref_slice %arg10[%add3A_22, %dma_wait3A_27] : memref<10240x128xf32, #tpu.memory_space<vmem_shared>> -> memref<64x128xf32, #tpu.memory_space<vmem_shared>>
        tpu.wait_dma2 semaphore(%run_scoped3A : memref<!tpu.dma_semaphore, #tpu.memory_space<semaphore_mem>>) src(%arg9 : memref<64x128xf32, #tpu.memory_space<vmem>>) dst(%dma_wait3A_28 : memref<64x128xf32, #tpu.memory_space<vmem_shared>>)
        tpu.yield
      }) : () -> ()
    }
    %scan3A_11 = arith.constant 10 : i32
    %barrier3A = arith.constant 0 : index
    tpu.barrier barrier_id(%barrier3A)
    %scan3A_12 = arith.constant 0 : i32
    %scan3A_13 = arith.constant 79 : i32
    %scan3A_14 = arith.addi %scan3A_12, %scan3A_13 : i32
    %scan3A_15 = arith.constant 1 : i32
    scf.for %scan3A_19 = %scan3A_12 to %scan3A_14 step %scan3A_15  : i32 {
      %mul3A_20 = arith.constant 10112 : i32
      %mul3A_21 = arith.muli %add3A, %mul3A_20 : i32
      %mul3A_22 = arith.constant 128 : i32
      %mul3A_23 = arith.muli %scan3A_19, %mul3A_22 : i32
      %add3A_24 = arith.addi %mul3A_21, %mul3A_23 : i32
      "tpu.region"() ({
        %run_scoped3A = tpu.sem_alloc : memref<!tpu.dma_semaphore, #tpu.memory_space<semaphore_mem>>
        %dma_start3A_29 = tpu.memref_slice %arg3[%add3A_24] : memref<323584xi32, #tpu.memory_space<hbm>> -> memref<128xi32, #tpu.memory_space<hbm>>
        %dma_start3A_30 = tpu.memref_slice %arg3[%add3A_24] : memref<323584xi32, #tpu.memory_space<hbm>> -> memref<128xi32, #tpu.memory_space<hbm>>
        tpu.enqueue_dma source(%dma_start3A_30 : memref<128xi32, #tpu.memory_space<hbm>>) target(%arg6 : memref<128xi32, #tpu.memory_space<vmem>>) target_semaphore(%run_scoped3A : memref<!tpu.dma_semaphore, #tpu.memory_space<semaphore_mem>>)
        %dma_wait3A_31 = tpu.memref_slice %arg3[%add3A_24] : memref<323584xi32, #tpu.memory_space<hbm>> -> memref<128xi32, #tpu.memory_space<hbm>>
        %dma_wait3A_32 = tpu.memref_slice %arg3[%add3A_24] : memref<323584xi32, #tpu.memory_space<hbm>> -> memref<128xi32, #tpu.memory_space<hbm>>
        tpu.wait_dma2 semaphore(%run_scoped3A : memref<!tpu.dma_semaphore, #tpu.memory_space<semaphore_mem>>) src(%dma_wait3A_32 : memref<128xi32, #tpu.memory_space<hbm>>) dst(%arg6 : memref<128xi32, #tpu.memory_space<vmem>>)
        tpu.yield
      }) : () -> ()
      "tpu.region"() ({
        %run_scoped3A = tpu.sem_alloc : memref<!tpu.dma_semaphore, #tpu.memory_space<semaphore_mem>>
        %dma_start3A_29 = tpu.memref_slice %arg4[%add3A_24] : memref<323584xi32, #tpu.memory_space<hbm>> -> memref<128xi32, #tpu.memory_space<hbm>>
        %dma_start3A_30 = tpu.memref_slice %arg4[%add3A_24] : memref<323584xi32, #tpu.memory_space<hbm>> -> memref<128xi32, #tpu.memory_space<hbm>>
        tpu.enqueue_dma source(%dma_start3A_30 : memref<128xi32, #tpu.memory_space<hbm>>) target(%arg7 : memref<128xi32, #tpu.memory_space<vmem>>) target_semaphore(%run_scoped3A : memref<!tpu.dma_semaphore, #tpu.memory_space<semaphore_mem>>)
        %dma_wait3A_31 = tpu.memref_slice %arg4[%add3A_24] : memref<323584xi32, #tpu.memory_space<hbm>> -> memref<128xi32, #tpu.memory_space<hbm>>
        %dma_wait3A_32 = tpu.memref_slice %arg4[%add3A_24] : memref<323584xi32, #tpu.memory_space<hbm>> -> memref<128xi32, #tpu.memory_space<hbm>>
        tpu.wait_dma2 semaphore(%run_scoped3A : memref<!tpu.dma_semaphore, #tpu.memory_space<semaphore_mem>>) src(%dma_wait3A_32 : memref<128xi32, #tpu.memory_space<hbm>>) dst(%arg7 : memref<128xi32, #tpu.memory_space<vmem>>)
        tpu.yield
      }) : () -> ()
      %dma_start3A = arith.constant 0 : i32
      %dma_start3A_25 = arith.constant 0 : i32
      %dma_start3A_26 = tpu.memref_slice %arg2[%dma_start3A, %dma_start3A_25] : memref<10240x128xf32, #tpu.memory_space<hbm>> -> memref<10240x128xf32, #tpu.memory_space<hbm>>
      tpu.enqueue_indirect_dma source(%dma_start3A_26 : memref<10240x128xf32, #tpu.memory_space<hbm>>) target(%arg8 : memref<128x128xf32, #tpu.memory_space<vmem>>) offsets(%arg6 : memref<128xi32, #tpu.memory_space<vmem>>) semaphore(%arg11 : memref<!tpu.dma_semaphore, #tpu.memory_space<semaphore_mem>>)
      %dma_wait3A = arith.constant 0 : i32
      %dma_wait3A_27 = arith.constant 0 : i32
      %dma_wait3A_28 = tpu.memref_slice %arg2[%dma_wait3A, %dma_wait3A_27] : memref<10240x128xf32, #tpu.memory_space<hbm>> -> memref<10240x128xf32, #tpu.memory_space<hbm>>
      tpu.wait_indirect_dma semaphore(%arg11 : memref<!tpu.dma_semaphore, #tpu.memory_space<semaphore_mem>>) src(%dma_wait3A_28 : memref<10240x128xf32, #tpu.memory_space<hbm>>) dst(%arg8 : memref<128x128xf32, #tpu.memory_space<vmem>>)
      "tpu.region"() ({
        %run_scoped3A = tpu.sem_alloc : memref<!tpu.dma_semaphore, #tpu.memory_space<semaphore_mem>>
        %dma_start3A_29 = arith.constant 0 : i32
        %dma_start3A_30 = arith.constant 0 : i32
        %dma_start3A_31 = tpu.memref_slice %arg10[%dma_start3A_29, %dma_start3A_30] : memref<10240x128xf32, #tpu.memory_space<vmem_shared>> -> memref<10240x128xf32, #tpu.memory_space<vmem_shared>>
        tpu.enqueue_indirect_dma source(%arg8 : memref<128x128xf32, #tpu.memory_space<vmem>>) target(%dma_start3A_31 : memref<10240x128xf32, #tpu.memory_space<vmem_shared>>) offsets(%arg7 : memref<128xi32, #tpu.memory_space<vmem>>) semaphore(%run_scoped3A : memref<!tpu.dma_semaphore, #tpu.memory_space<semaphore_mem>>) {add = true}
        %dma_wait3A_32 = arith.constant 0 : i32
        %dma_wait3A_33 = arith.constant 0 : i32
        %dma_wait3A_34 = tpu.memref_slice %arg10[%dma_wait3A_32, %dma_wait3A_33] : memref<10240x128xf32, #tpu.memory_space<vmem_shared>> -> memref<10240x128xf32, #tpu.memory_space<vmem_shared>>
        tpu.wait_indirect_dma semaphore(%run_scoped3A : memref<!tpu.dma_semaphore, #tpu.memory_space<semaphore_mem>>) src(%arg8 : memref<128x128xf32, #tpu.memory_space<vmem>>) dst(%dma_wait3A_34 : memref<10240x128xf32, #tpu.memory_space<vmem_shared>>)
        tpu.yield
      }) : () -> ()
    }
    %scan3A_16 = arith.constant 79 : i32
    %barrier3A_17 = arith.constant 0 : index
    tpu.barrier barrier_id(%barrier3A_17)
    %delay3A = arith.constant 4096 : i32
    tpu.delay %delay3A
    %barrier3A_18 = arith.constant 0 : index
    tpu.barrier barrier_id(%barrier3A_18)
    "tpu.region"() ({
      %run_scoped3A = tpu.sem_alloc : memref<!tpu.dma_semaphore, #tpu.memory_space<semaphore_mem>>
      %dma_start3A = arith.constant 0 : i32
      %dma_start3A_19 = tpu.memref_slice %arg5[%arg0, %mul3A_6, %dma_start3A] : memref<2x10240x128xf32, #tpu.memory_space<hbm>> -> memref<1x640x128xf32, #tpu.memory_space<hbm>>
      %dma_start3A_20 = tpu.memref_squeeze %dma_start3A_19 : memref<1x640x128xf32, #tpu.memory_space<hbm>> -> memref<640x128xf32, #tpu.memory_space<hbm>>
      %dma_start3A_21 = arith.constant 0 : i32
      %dma_start3A_22 = tpu.memref_slice %arg10[%mul3A_6, %dma_start3A_21] : memref<10240x128xf32, #tpu.memory_space<vmem_shared>> -> memref<640x128xf32, #tpu.memory_space<vmem_shared>>
      tpu.enqueue_dma source(%dma_start3A_22 : memref<640x128xf32, #tpu.memory_space<vmem_shared>>) target(%dma_start3A_20 : memref<640x128xf32, #tpu.memory_space<hbm>>) target_semaphore(%run_scoped3A : memref<!tpu.dma_semaphore, #tpu.memory_space<semaphore_mem>>)
      %dma_wait3A = arith.constant 0 : i32
      %dma_wait3A_23 = tpu.memref_slice %arg5[%arg0, %mul3A_6, %dma_wait3A] : memref<2x10240x128xf32, #tpu.memory_space<hbm>> -> memref<1x640x128xf32, #tpu.memory_space<hbm>>
      %dma_wait3A_24 = tpu.memref_squeeze %dma_wait3A_23 : memref<1x640x128xf32, #tpu.memory_space<hbm>> -> memref<640x128xf32, #tpu.memory_space<hbm>>
      %dma_wait3A_25 = arith.constant 0 : i32
      %dma_wait3A_26 = tpu.memref_slice %arg10[%mul3A_6, %dma_wait3A_25] : memref<10240x128xf32, #tpu.memory_space<vmem_shared>> -> memref<640x128xf32, #tpu.memory_space<vmem_shared>>
      tpu.wait_dma2 semaphore(%run_scoped3A : memref<!tpu.dma_semaphore, #tpu.memory_space<semaphore_mem>>) src(%dma_wait3A_26 : memref<640x128xf32, #tpu.memory_space<vmem_shared>>) dst(%dma_wait3A_24 : memref<640x128xf32, #tpu.memory_space<hbm>>)
      tpu.yield
    }) : () -> ()
    return
  }
}

#map = affine_map<(d0, d1) -> (0, 0)>
#map1 = affine_map<(d0, d1) -> (0)>
#map2 = affine_map<(d0, d1) -> (0, 0, 0)>
module attributes {stable_mosaic.version = 14 : i64} {
  func.func @_agg_kernel(%arg0: i32, %arg1: i32, %arg2: memref<10240x128xf32, #tpu.memory_space<hbm>>, %arg3: memref<323584xi32, #tpu.memory_space<hbm>>, %arg4: memref<323584xi32, #tpu.memory_space<hbm>>, %arg5: memref<2x10240x128xf32, #tpu.memory_space<hbm>>, %arg6: memref<128xi32, #tpu.memory_space<vmem>>, %arg7: memref<128xi32, #tpu.memory_space<vmem>>, %arg8: memref<128x128xf32, #tpu.memory_space<vmem>>, %arg9: memref<64x128xf32, #tpu.memory_space<vmem>>, %arg10: memref<10240x128xf32, #tpu.memory_space<vmem_shared>>, %arg11: memref<!tpu.dma_semaphore, #tpu.memory_space<semaphore_mem>>) attributes {dimension_semantics = [#tpu.dimension_semantics<core_parallel>, #tpu.dimension_semantics<subcore_parallel>], iteration_bounds = array<i64: 2, 16>, scalar_prefetch = 0 : i64, scratch_operands = 6 : i64, tpu.core_type = #tpu.core_type<sc_vector_subcore>, window_params = [{transform_indices = #map}, {transform_indices = #map1}, {transform_indices = #map1}, {transform_indices = #map2}]} {
    %mul3A = arith.constant 16 : i32
    %mul3A_0 = arith.muli %arg0, %mul3A : i32
    %add3A = arith.addi %mul3A_0, %arg1 : i32
    %scan3A = arith.constant 0 : i32
    %scan3A_1 = arith.constant 64 : i32
    %scan3A_2 = arith.addi %scan3A, %scan3A_1 : i32
    %scan3A_3 = arith.constant 1 : i32
    scf.for %scan3A_19 = %scan3A to %scan3A_2 step %scan3A_3  : i32 {
      %scan3A_20 = arith.constant 0 : i32
      %scan3A_21 = arith.constant 8 : i32
      %scan3A_22 = arith.addi %scan3A_20, %scan3A_21 : i32
      %scan3A_23 = arith.constant 1 : i32
      scf.for %scan3A_25 = %scan3A_20 to %scan3A_22 step %scan3A_23  : i32 {
        %broadcast_in_dim3A = arith.constant 0.000000e+00 : f32
        %broadcast_in_dim3A_26 = vector.broadcast %broadcast_in_dim3A : f32 to vector<16xf32>
        %mul3A_27 = arith.constant 16 : i32
        %mul3A_28 = arith.muli %scan3A_25, %mul3A_27 : i32
        %swap3A = arith.index_cast %scan3A_19 : i32 to index
        %swap3A_29 = arith.index_cast %mul3A_28 : i32 to index
        %swap3A_30 = tpu.vector_load %arg9[%swap3A, %swap3A_29] {strides = array<i32>} : memref<64x128xf32, #tpu.memory_space<vmem>>, vector<16xf32>,
        tpu.vector_store %arg9[%swap3A, %swap3A_29], %broadcast_in_dim3A_26 {strides = array<i32>} : memref<64x128xf32, #tpu.memory_space<vmem>>, vector<16xf32>,
      }
      %scan3A_24 = arith.constant 8 : i32
    }
    %scan3A_4 = arith.constant 64 : i32
    %mul3A_5 = arith.constant 640 : i32
    %mul3A_6 = arith.muli %arg1, %mul3A_5 : i32
    %scan3A_7 = arith.constant 0 : i32
    %scan3A_8 = arith.constant 10 : i32
    %scan3A_9 = arith.addi %scan3A_7, %scan3A_8 : i32
    %scan3A_10 = arith.constant 1 : i32
    scf.for %scan3A_19 = %scan3A_7 to %scan3A_9 step %scan3A_10  : i32 {
      %mul3A_20 = arith.constant 64 : i32
      %mul3A_21 = arith.muli %scan3A_19, %mul3A_20 : i32
      %add3A_22 = arith.addi %mul3A_6, %mul3A_21 : i32
      "tpu.region"() ({
        %run_scoped3A = tpu.sem_alloc : memref<!tpu.dma_semaphore, #tpu.memory_space<semaphore_mem>>
        %dma_start3A = arith.constant 0 : i32
        %dma_start3A_23 = tpu.memref_slice %arg10[%add3A_22, %dma_start3A] : memref<10240x128xf32, #tpu.memory_space<vmem_shared>> -> memref<64x128xf32, #tpu.memory_space<vmem_shared>>
        %dma_start3A_24 = arith.constant 0 : i32
        %dma_start3A_25 = tpu.memref_slice %arg10[%add3A_22, %dma_start3A_24] : memref<10240x128xf32, #tpu.memory_space<vmem_shared>> -> memref<64x128xf32, #tpu.memory_space<vmem_shared>>
        tpu.enqueue_dma source(%arg9 : memref<64x128xf32, #tpu.memory_space<vmem>>) target(%dma_start3A_25 : memref<64x128xf32, #tpu.memory_space<vmem_shared>>) target_semaphore(%run_scoped3A : memref<!tpu.dma_semaphore, #tpu.memory_space<semaphore_mem>>)
        %dma_wait3A = arith.constant 0 : i32
        %dma_wait3A_26 = tpu.memref_slice %arg10[%add3A_22, %dma_wait3A] : memref<10240x128xf32, #tpu.memory_space<vmem_shared>> -> memref<64x128xf32, #tpu.memory_space<vmem_shared>>
        %dma_wait3A_27 = arith.constant 0 : i32
        %dma_wait3A_28 = tpu.memref_slice %arg10[%add3A_22, %dma_wait3A_27] : memref<10240x128xf32, #tpu.memory_space<vmem_shared>> -> memref<64x128xf32, #tpu.memory_space<vmem_shared>>
        tpu.wait_dma2 semaphore(%run_scoped3A : memref<!tpu.dma_semaphore, #tpu.memory_space<semaphore_mem>>) src(%arg9 : memref<64x128xf32, #tpu.memory_space<vmem>>) dst(%dma_wait3A_28 : memref<64x128xf32, #tpu.memory_space<vmem_shared>>)
        tpu.yield
      }) : () -> ()
    }
    %scan3A_11 = arith.constant 10 : i32
    %barrier3A = arith.constant 0 : index
    tpu.barrier barrier_id(%barrier3A)
    %scan3A_12 = arith.constant 0 : i32
    %scan3A_13 = arith.constant 79 : i32
    %scan3A_14 = arith.addi %scan3A_12, %scan3A_13 : i32
    %scan3A_15 = arith.constant 1 : i32
    scf.for %scan3A_19 = %scan3A_12 to %scan3A_14 step %scan3A_15  : i32 {
      %mul3A_20 = arith.constant 10112 : i32
      %mul3A_21 = arith.muli %add3A, %mul3A_20 : i32
      %mul3A_22 = arith.constant 128 : i32
      %mul3A_23 = arith.muli %scan3A_19, %mul3A_22 : i32
      %add3A_24 = arith.addi %mul3A_21, %mul3A_23 : i32
      "tpu.region"() ({
        %run_scoped3A = tpu.sem_alloc : memref<!tpu.dma_semaphore, #tpu.memory_space<semaphore_mem>>
        %dma_start3A_29 = tpu.memref_slice %arg3[%add3A_24] : memref<323584xi32, #tpu.memory_space<hbm>> -> memref<128xi32, #tpu.memory_space<hbm>>
        %dma_start3A_30 = tpu.memref_slice %arg3[%add3A_24] : memref<323584xi32, #tpu.memory_space<hbm>> -> memref<128xi32, #tpu.memory_space<hbm>>
        tpu.enqueue_dma source(%dma_start3A_30 : memref<128xi32, #tpu.memory_space<hbm>>) target(%arg6 : memref<128xi32, #tpu.memory_space<vmem>>) target_semaphore(%run_scoped3A : memref<!tpu.dma_semaphore, #tpu.memory_space<semaphore_mem>>)
        %dma_wait3A_31 = tpu.memref_slice %arg3[%add3A_24] : memref<323584xi32, #tpu.memory_space<hbm>> -> memref<128xi32, #tpu.memory_space<hbm>>
        %dma_wait3A_32 = tpu.memref_slice %arg3[%add3A_24] : memref<323584xi32, #tpu.memory_space<hbm>> -> memref<128xi32, #tpu.memory_space<hbm>>
        tpu.wait_dma2 semaphore(%run_scoped3A : memref<!tpu.dma_semaphore, #tpu.memory_space<semaphore_mem>>) src(%dma_wait3A_32 : memref<128xi32, #tpu.memory_space<hbm>>) dst(%arg6 : memref<128xi32, #tpu.memory_space<vmem>>)
        tpu.yield
      }) : () -> ()
      "tpu.region"() ({
        %run_scoped3A = tpu.sem_alloc : memref<!tpu.dma_semaphore, #tpu.memory_space<semaphore_mem>>
        %dma_start3A_29 = tpu.memref_slice %arg4[%add3A_24] : memref<323584xi32, #tpu.memory_space<hbm>> -> memref<128xi32, #tpu.memory_space<hbm>>
        %dma_start3A_30 = tpu.memref_slice %arg4[%add3A_24] : memref<323584xi32, #tpu.memory_space<hbm>> -> memref<128xi32, #tpu.memory_space<hbm>>
        tpu.enqueue_dma source(%dma_start3A_30 : memref<128xi32, #tpu.memory_space<hbm>>) target(%arg7 : memref<128xi32, #tpu.memory_space<vmem>>) target_semaphore(%run_scoped3A : memref<!tpu.dma_semaphore, #tpu.memory_space<semaphore_mem>>)
        %dma_wait3A_31 = tpu.memref_slice %arg4[%add3A_24] : memref<323584xi32, #tpu.memory_space<hbm>> -> memref<128xi32, #tpu.memory_space<hbm>>
        %dma_wait3A_32 = tpu.memref_slice %arg4[%add3A_24] : memref<323584xi32, #tpu.memory_space<hbm>> -> memref<128xi32, #tpu.memory_space<hbm>>
        tpu.wait_dma2 semaphore(%run_scoped3A : memref<!tpu.dma_semaphore, #tpu.memory_space<semaphore_mem>>) src(%dma_wait3A_32 : memref<128xi32, #tpu.memory_space<hbm>>) dst(%arg7 : memref<128xi32, #tpu.memory_space<vmem>>)
        tpu.yield
      }) : () -> ()
      %dma_start3A = arith.constant 0 : i32
      %dma_start3A_25 = arith.constant 0 : i32
      %dma_start3A_26 = tpu.memref_slice %arg2[%dma_start3A, %dma_start3A_25] : memref<10240x128xf32, #tpu.memory_space<hbm>> -> memref<10240x128xf32, #tpu.memory_space<hbm>>
      tpu.enqueue_indirect_dma source(%dma_start3A_26 : memref<10240x128xf32, #tpu.memory_space<hbm>>) target(%arg8 : memref<128x128xf32, #tpu.memory_space<vmem>>) offsets(%arg6 : memref<128xi32, #tpu.memory_space<vmem>>) semaphore(%arg11 : memref<!tpu.dma_semaphore, #tpu.memory_space<semaphore_mem>>)
      %dma_wait3A = arith.constant 0 : i32
      %dma_wait3A_27 = arith.constant 0 : i32
      %dma_wait3A_28 = tpu.memref_slice %arg2[%dma_wait3A, %dma_wait3A_27] : memref<10240x128xf32, #tpu.memory_space<hbm>> -> memref<10240x128xf32, #tpu.memory_space<hbm>>
      tpu.wait_indirect_dma semaphore(%arg11 : memref<!tpu.dma_semaphore, #tpu.memory_space<semaphore_mem>>) src(%dma_wait3A_28 : memref<10240x128xf32, #tpu.memory_space<hbm>>) dst(%arg8 : memref<128x128xf32, #tpu.memory_space<vmem>>)
      "tpu.region"() ({
        %run_scoped3A = tpu.sem_alloc : memref<!tpu.dma_semaphore, #tpu.memory_space<semaphore_mem>>
        %dma_start3A_29 = arith.constant 0 : i32
        %dma_start3A_30 = arith.constant 0 : i32
        %dma_start3A_31 = tpu.memref_slice %arg10[%dma_start3A_29, %dma_start3A_30] : memref<10240x128xf32, #tpu.memory_space<vmem_shared>> -> memref<10240x128xf32, #tpu.memory_space<vmem_shared>>
        tpu.enqueue_indirect_dma source(%arg8 : memref<128x128xf32, #tpu.memory_space<vmem>>) target(%dma_start3A_31 : memref<10240x128xf32, #tpu.memory_space<vmem_shared>>) offsets(%arg7 : memref<128xi32, #tpu.memory_space<vmem>>) semaphore(%run_scoped3A : memref<!tpu.dma_semaphore, #tpu.memory_space<semaphore_mem>>) {add = true}
        %dma_wait3A_32 = arith.constant 0 : i32
        %dma_wait3A_33 = arith.constant 0 : i32
        %dma_wait3A_34 = tpu.memref_slice %arg10[%dma_wait3A_32, %dma_wait3A_33] : memref<10240x128xf32, #tpu.memory_space<vmem_shared>> -> memref<10240x128xf32, #tpu.memory_space<vmem_shared>>
        tpu.wait_indirect_dma semaphore(%run_scoped3A : memref<!tpu.dma_semaphore, #tpu.memory_space<semaphore_mem>>) src(%arg8 : memref<128x128xf32, #tpu.memory_space<vmem>>) dst(%dma_wait3A_34 : memref<10240x128xf32, #tpu.memory_space<vmem_shared>>)
        tpu.yield
      }) : () -> ()
    }
    %scan3A_16 = arith.constant 79 : i32
    %barrier3A_17 = arith.constant 0 : index
    tpu.barrier barrier_id(%barrier3A_17)
    %delay3A = arith.constant 4096 : i32
    tpu.delay %delay3A
    %barrier3A_18 = arith.constant 0 : index
    tpu.barrier barrier_id(%barrier3A_18)
    "tpu.region"() ({
      %run_scoped3A = tpu.sem_alloc : memref<!tpu.dma_semaphore, #tpu.memory_space<semaphore_mem>>
      %dma_start3A = arith.constant 0 : i32
      %dma_start3A_19 = tpu.memref_slice %arg5[%arg0, %mul3A_6, %dma_start3A] : memref<2x10240x128xf32, #tpu.memory_space<hbm>> -> memref<1x640x128xf32, #tpu.memory_space<hbm>>
      %dma_start3A_20 = tpu.memref_squeeze %dma_start3A_19 : memref<1x640x128xf32, #tpu.memory_space<hbm>> -> memref<640x128xf32, #tpu.memory_space<hbm>>
      %dma_start3A_21 = arith.constant 0 : i32
      %dma_start3A_22 = tpu.memref_slice %arg10[%mul3A_6, %dma_start3A_21] : memref<10240x128xf32, #tpu.memory_space<vmem_shared>> -> memref<640x128xf32, #tpu.memory_space<vmem_shared>>
      tpu.enqueue_dma source(%dma_start3A_22 : memref<640x128xf32, #tpu.memory_space<vmem_shared>>) target(%dma_start3A_20 : memref<640x128xf32, #tpu.memory_space<hbm>>) target_semaphore(%run_scoped3A : memref<!tpu.dma_semaphore, #tpu.memory_space<semaphore_mem>>)
      %dma_wait3A = arith.constant 0 : i32
      %dma_wait3A_23 = tpu.memref_slice %arg5[%arg0, %mul3A_6, %dma_wait3A] : memref<2x10240x128xf32, #tpu.memory_space<hbm>> -> memref<1x640x128xf32, #tpu.memory_space<hbm>>
      %dma_wait3A_24 = tpu.memref_squeeze %dma_wait3A_23 : memref<1x640x128xf32, #tpu.memory_space<hbm>> -> memref<640x128xf32, #tpu.memory_space<hbm>>
      %dma_wait3A_25 = arith.constant 0 : i32
      %dma_wait3A_26 = tpu.memref_slice %arg10[%mul3A_6, %dma_wait3A_25] : memref<10240x128xf32, #tpu.memory_space<vmem_shared>> -> memref<640x128xf32, #tpu.memory_space<vmem_shared>>
      tpu.wait_dma2 semaphore(%run_scoped3A : memref<!tpu.dma_semaphore, #tpu.memory_space<semaphore_mem>>) src(%dma_wait3A_26 : memref<640x128xf32, #tpu.memory_space<vmem_shared>>) dst(%dma_wait3A_24 : memref<640x128xf32, #tpu.memory_space<hbm>>)
      tpu.yield
    }) : () -> ()
    return
  }
}

#map = affine_map<(d0, d1) -> (0)>
#map1 = affine_map<(d0, d1) -> (0, 0)>
module attributes {stable_mosaic.version = 14 : i64} {
  func.func @_deg_kernel(%arg0: i32, %arg1: i32, %arg2: memref<323584xi32, #tpu.memory_space<hbm>>, %arg3: memref<32x10240xf32, #tpu.memory_space<hbm>>, %arg4: memref<128xi32, #tpu.memory_space<vmem>>, %arg5: memref<10240xf32, #tpu.memory_space<vmem>>) attributes {dimension_semantics = [#tpu.dimension_semantics<core_parallel>, #tpu.dimension_semantics<subcore_parallel>], iteration_bounds = array<i64: 2, 16>, scalar_prefetch = 0 : i64, scratch_operands = 2 : i64, tpu.core_type = #tpu.core_type<sc_vector_subcore>, window_params = [{transform_indices = #map}, {transform_indices = #map1}]} {
    %mul3A = arith.constant 16 : i32
    %mul3A_0 = arith.muli %arg0, %mul3A : i32
    %add3A = arith.addi %mul3A_0, %arg1 : i32
    %scan3A = arith.constant 0 : i32
    %scan3A_1 = arith.constant 640 : i32
    %scan3A_2 = arith.addi %scan3A, %scan3A_1 : i32
    %scan3A_3 = arith.constant 1 : i32
    scf.for %scan3A_11 = %scan3A to %scan3A_2 step %scan3A_3  : i32 {
      %broadcast_in_dim3A_12 = arith.constant 0.000000e+00 : f32
      %broadcast_in_dim3A_13 = vector.broadcast %broadcast_in_dim3A_12 : f32 to vector<16xf32>
      %mul3A_14 = arith.constant 16 : i32
      %mul3A_15 = arith.muli %scan3A_11, %mul3A_14 : i32
      %swap3A = arith.index_cast %mul3A_15 : i32 to index
      %swap3A_16 = tpu.vector_load %arg5[%swap3A] {strides = array<i32>} : memref<10240xf32, #tpu.memory_space<vmem>>, vector<16xf32>,
      tpu.vector_store %arg5[%swap3A], %broadcast_in_dim3A_13 {strides = array<i32>} : memref<10240xf32, #tpu.memory_space<vmem>>, vector<16xf32>,
    }
    %scan3A_4 = arith.constant 640 : i32
    %broadcast_in_dim3A = arith.constant 1.000000e+00 : f32
    %broadcast_in_dim3A_5 = vector.broadcast %broadcast_in_dim3A : f32 to vector<16xf32>
    %scan3A_6 = arith.constant 0 : i32
    %scan3A_7 = arith.constant 79 : i32
    %scan3A_8 = arith.addi %scan3A_6, %scan3A_7 : i32
    %scan3A_9 = arith.constant 1 : i32
    scf.for %scan3A_11 = %scan3A_6 to %scan3A_8 step %scan3A_9  : i32 {
      %mul3A_12 = arith.constant 10112 : i32
      %mul3A_13 = arith.muli %add3A, %mul3A_12 : i32
      %mul3A_14 = arith.constant 128 : i32
      %mul3A_15 = arith.muli %scan3A_11, %mul3A_14 : i32
      %add3A_16 = arith.addi %mul3A_13, %mul3A_15 : i32
      "tpu.region"() ({
        %run_scoped3A = tpu.sem_alloc : memref<!tpu.dma_semaphore, #tpu.memory_space<semaphore_mem>>
        %dma_start3A = tpu.memref_slice %arg2[%add3A_16] : memref<323584xi32, #tpu.memory_space<hbm>> -> memref<128xi32, #tpu.memory_space<hbm>>
        %dma_start3A_22 = tpu.memref_slice %arg2[%add3A_16] : memref<323584xi32, #tpu.memory_space<hbm>> -> memref<128xi32, #tpu.memory_space<hbm>>
        tpu.enqueue_dma source(%dma_start3A_22 : memref<128xi32, #tpu.memory_space<hbm>>) target(%arg4 : memref<128xi32, #tpu.memory_space<vmem>>) target_semaphore(%run_scoped3A : memref<!tpu.dma_semaphore, #tpu.memory_space<semaphore_mem>>)
        %dma_wait3A = tpu.memref_slice %arg2[%add3A_16] : memref<323584xi32, #tpu.memory_space<hbm>> -> memref<128xi32, #tpu.memory_space<hbm>>
        %dma_wait3A_23 = tpu.memref_slice %arg2[%add3A_16] : memref<323584xi32, #tpu.memory_space<hbm>> -> memref<128xi32, #tpu.memory_space<hbm>>
        tpu.wait_dma2 semaphore(%run_scoped3A : memref<!tpu.dma_semaphore, #tpu.memory_space<semaphore_mem>>) src(%dma_wait3A_23 : memref<128xi32, #tpu.memory_space<hbm>>) dst(%arg4 : memref<128xi32, #tpu.memory_space<vmem>>)
        tpu.yield
      }) : () -> ()
      %scan3A_17 = arith.constant 0 : i32
      %scan3A_18 = arith.constant 8 : i32
      %scan3A_19 = arith.addi %scan3A_17, %scan3A_18 : i32
      %scan3A_20 = arith.constant 1 : i32
      scf.for %scan3A_22 = %scan3A_17 to %scan3A_19 step %scan3A_20  : i32 {
        %mul3A_23 = arith.constant 16 : i32
        %mul3A_24 = arith.muli %scan3A_22, %mul3A_23 : i32
        %get3A = arith.index_cast %mul3A_24 : i32 to index
        %get3A_25 = tpu.vector_load %arg4[%get3A] {strides = array<i32>} : memref<128xi32, #tpu.memory_space<vmem>>, vector<16xi32>,
        tpu.vector_store_idx %arg5[%get3A_25], %broadcast_in_dim3A_5 {add = true} : memref<10240xf32, #tpu.memory_space<vmem>>[vector<16xi32>], vector<16xf32>,
      }
      %scan3A_21 = arith.constant 8 : i32
    }
    %scan3A_10 = arith.constant 79 : i32
    "tpu.region"() ({
      %run_scoped3A = tpu.sem_alloc : memref<!tpu.dma_semaphore, #tpu.memory_space<semaphore_mem>>
      %dma_start3A = arith.constant 0 : i32
      %dma_start3A_11 = tpu.memref_slice %arg3[%add3A, %dma_start3A] : memref<32x10240xf32, #tpu.memory_space<hbm>> -> memref<1x10240xf32, #tpu.memory_space<hbm>>
      %dma_start3A_12 = tpu.memref_squeeze %dma_start3A_11 : memref<1x10240xf32, #tpu.memory_space<hbm>> -> memref<10240xf32, #tpu.memory_space<hbm>>
      %dma_start3A_13 = arith.constant 0 : i32
      %dma_start3A_14 = tpu.memref_slice %arg3[%add3A, %dma_start3A_13] : memref<32x10240xf32, #tpu.memory_space<hbm>> -> memref<1x10240xf32, #tpu.memory_space<hbm>>
      %dma_start3A_15 = tpu.memref_squeeze %dma_start3A_14 : memref<1x10240xf32, #tpu.memory_space<hbm>> -> memref<10240xf32, #tpu.memory_space<hbm>>
      tpu.enqueue_dma source(%arg5 : memref<10240xf32, #tpu.memory_space<vmem>>) target(%dma_start3A_15 : memref<10240xf32, #tpu.memory_space<hbm>>) target_semaphore(%run_scoped3A : memref<!tpu.dma_semaphore, #tpu.memory_space<semaphore_mem>>)
      %dma_wait3A = arith.constant 0 : i32
      %dma_wait3A_16 = tpu.memref_slice %arg3[%add3A, %dma_wait3A] : memref<32x10240xf32, #tpu.memory_space<hbm>> -> memref<1x10240xf32, #tpu.memory_space<hbm>>
      %dma_wait3A_17 = tpu.memref_squeeze %dma_wait3A_16 : memref<1x10240xf32, #tpu.memory_space<hbm>> -> memref<10240xf32, #tpu.memory_space<hbm>>
      %dma_wait3A_18 = arith.constant 0 : i32
      %dma_wait3A_19 = tpu.memref_slice %arg3[%add3A, %dma_wait3A_18] : memref<32x10240xf32, #tpu.memory_space<hbm>> -> memref<1x10240xf32, #tpu.memory_space<hbm>>
      %dma_wait3A_20 = tpu.memref_squeeze %dma_wait3A_19 : memref<1x10240xf32, #tpu.memory_space<hbm>> -> memref<10240xf32, #tpu.memory_space<hbm>>
      tpu.wait_dma2 semaphore(%run_scoped3A : memref<!tpu.dma_semaphore, #tpu.memory_space<semaphore_mem>>) src(%arg5 : memref<10240xf32, #tpu.memory_space<vmem>>) dst(%dma_wait3A_20 : memref<10240xf32, #tpu.memory_space<hbm>>)
      tpu.yield
    }) : () -> ()
    return
  }
}

module attributes {stable_mosaic.version = 14 : i64} {
  func.func @_t1_body(%arg0: i32, %arg1: memref<2048x128xf32, #tpu.memory_space<vmem>>, %arg2: memref<128x128xf32, #tpu.memory_space<vmem>>, %arg3: memref<32x2048xf32, #tpu.memory_space<vmem>>, %arg4: memref<2048x128xf32, #tpu.memory_space<vmem>>) attributes {dimension_semantics = [#tpu.dimension_semantics<arbitrary>], iteration_bounds = array<i64: 5>, scalar_prefetch = 0 : i64, scratch_operands = 0 : i64, tpu.core_type = #tpu.core_type<tc>, window_params = [{transform_indices = @transform_0, window_bounds = array<i64: 2048, 128>}, {pipeline_mode = #tpu.pipeline_mode<synchronous>, transform_indices = @transform_1, window_bounds = array<i64: 128, 128>}, {transform_indices = @transform_2, window_bounds = array<i64: 32, 2048>}, {transform_indices = @transform_3, window_bounds = array<i64: 2048, 128>}]} {
    %get3A = arith.constant 0 : index
    %get3A_0 = arith.constant 0 : index
    %get3A_1 = vector.load %arg3[%get3A, %get3A_0] : memref<32x2048xf32, #tpu.memory_space<vmem>>, vector<32x2048xf32>
    %reduce_sum3A = arith.constant dense<0.000000e+00> : vector<2048xf32>
    %reduce_sum3A_2 = vector.multi_reduction <add>, %get3A_1, %reduce_sum3A [0] : vector<32x2048xf32> to vector<2048xf32>
    %add3A = arith.constant 1.000000e+00 : f32
    %add3A_3 = vector.broadcast %add3A : f32 to vector<2048xf32>
    %add3A_4 = arith.addf %reduce_sum3A_2, %add3A_3 : vector<2048xf32>
    %rsqrt3A = math.rsqrt %add3A_4 : vector<2048xf32>
    %get3A_5 = arith.constant 0 : index
    %get3A_6 = arith.constant 0 : index
    %get3A_7 = vector.load %arg1[%get3A_5, %get3A_6] : memref<2048x128xf32, #tpu.memory_space<vmem>>, vector<2048x128xf32>
    %get3A_8 = arith.constant 0 : index
    %get3A_9 = arith.constant 0 : index
    %get3A_10 = vector.load %arg2[%get3A_8, %get3A_9] : memref<128x128xf32, #tpu.memory_space<vmem>>, vector<128x128xf32>
    %dot_general3A = arith.constant dense<0.000000e+00> : vector<2048x128xf32>
    %dot_general3A_11 = tpu.matmul %get3A_7, %get3A_10, %dot_general3A {dimension_numbers = #tpu.dot_dimension_numbers<[1], [0], [0], [1], [0, 0, 1, 1], [], []>, transpose_lhs_hint = false} : vector<2048x128xf32>, vector<128x128xf32>, vector<2048x128xf32> -> vector<2048x128xf32>
    %broadcast_in_dim3A = vector.shape_cast %rsqrt3A : vector<2048xf32> to vector<2048x1xf32>
    %mul3A = vector.broadcast %broadcast_in_dim3A : vector<2048x1xf32> to vector<2048x128xf32>
    %mul3A_12 = arith.mulf %dot_general3A_11, %mul3A : vector<2048x128xf32>
    %swap3A = arith.constant 0 : index
    %swap3A_13 = arith.constant 0 : index
    %swap3A_14 = vector.load %arg4[%swap3A, %swap3A_13] : memref<2048x128xf32, #tpu.memory_space<vmem>>, vector<2048x128xf32>
    tpu.vector_store %arg4[%swap3A, %swap3A_13], %mul3A_12 {strides = array<i32>} : memref<2048x128xf32, #tpu.memory_space<vmem>>, vector<2048x128xf32>,
    return
  }
  func.func @transform_0(%arg0: i32) -> (i32, i32) {
    %c0_i32 = arith.constant 0 : i32
    %c0_i32_0 = arith.constant 0 : i32
    return %arg0, %c0_i32 : i32, i32
  }
  func.func @transform_1(%arg0: i32) -> (i32, i32) {
    %c0_i32 = arith.constant 0 : i32
    %c0_i32_0 = arith.constant 0 : i32
    %c0_i32_1 = arith.constant 0 : i32
    return %c0_i32, %c0_i32_0 : i32, i32
  }
  func.func @transform_2(%arg0: i32) -> (i32, i32) {
    %c0_i32 = arith.constant 0 : i32
    %c0_i32_0 = arith.constant 0 : i32
    return %c0_i32, %arg0 : i32, i32
  }
  func.func @transform_3(%arg0: i32) -> (i32, i32) {
    %c0_i32 = arith.constant 0 : i32
    %c0_i32_0 = arith.constant 0 : i32
    return %arg0, %c0_i32 : i32, i32
  }
}

module attributes {stable_mosaic.version = 14 : i64} {
  func.func @_t2_body(%arg0: i32, %arg1: memref<2048x128xf32, #tpu.memory_space<vmem>>, %arg2: memref<2048x128xf32, #tpu.memory_space<vmem>>, %arg3: memref<2048x128xf32, #tpu.memory_space<vmem>>, %arg4: memref<32x2048xf32, #tpu.memory_space<vmem>>, %arg5: memref<1x128xf32, #tpu.memory_space<vmem>>, %arg6: memref<128x128xf32, #tpu.memory_space<vmem>>, %arg7: memref<2048x128xf32, #tpu.memory_space<vmem>>) attributes {dimension_semantics = [#tpu.dimension_semantics<arbitrary>], iteration_bounds = array<i64: 5>, scalar_prefetch = 0 : i64, scratch_operands = 0 : i64, tpu.core_type = #tpu.core_type<tc>, window_params = [{transform_indices = @transform_0, window_bounds = array<i64: 2048, 128>}, {transform_indices = @transform_1, window_bounds = array<i64: 2048, 128>}, {transform_indices = @transform_2, window_bounds = array<i64: 2048, 128>}, {transform_indices = @transform_3, window_bounds = array<i64: 32, 2048>}, {pipeline_mode = #tpu.pipeline_mode<synchronous>, transform_indices = @transform_4, window_bounds = array<i64: 1, 128>}, {pipeline_mode = #tpu.pipeline_mode<synchronous>, transform_indices = @transform_5, window_bounds = array<i64: 128, 128>}, {transform_indices = @transform_6, window_bounds = array<i64: 2048, 128>}]} {
    %get3A = arith.constant 0 : index
    %get3A_0 = arith.constant 0 : index
    %get3A_1 = vector.load %arg4[%get3A, %get3A_0] : memref<32x2048xf32, #tpu.memory_space<vmem>>, vector<32x2048xf32>
    %reduce_sum3A = arith.constant dense<0.000000e+00> : vector<2048xf32>
    %reduce_sum3A_2 = vector.multi_reduction <add>, %get3A_1, %reduce_sum3A [0] : vector<32x2048xf32> to vector<2048xf32>
    %add3A = arith.constant 1.000000e+00 : f32
    %add3A_3 = vector.broadcast %add3A : f32 to vector<2048xf32>
    %add3A_4 = arith.addf %reduce_sum3A_2, %add3A_3 : vector<2048xf32>
    %rsqrt3A = math.rsqrt %add3A_4 : vector<2048xf32>
    %broadcast_in_dim3A = vector.shape_cast %rsqrt3A : vector<2048xf32> to vector<2048x1xf32>
    %get3A_5 = arith.constant 0 : index
    %get3A_6 = arith.constant 0 : index
    %get3A_7 = vector.load %arg1[%get3A_5, %get3A_6] : memref<2048x128xf32, #tpu.memory_space<vmem>>, vector<2048x128xf32>
    %get3A_8 = arith.constant 0 : index
    %get3A_9 = arith.constant 0 : index
    %get3A_10 = vector.load %arg2[%get3A_8, %get3A_9] : memref<2048x128xf32, #tpu.memory_space<vmem>>, vector<2048x128xf32>
    %add3A_11 = arith.addf %get3A_7, %get3A_10 : vector<2048x128xf32>
    %get3A_12 = arith.constant 0 : index
    %get3A_13 = arith.constant 0 : index
    %get3A_14 = vector.load %arg3[%get3A_12, %get3A_13] : memref<2048x128xf32, #tpu.memory_space<vmem>>, vector<2048x128xf32>
    %add3A_15 = arith.addf %add3A_11, %get3A_14 : vector<2048x128xf32>
    %mul3A = vector.broadcast %broadcast_in_dim3A : vector<2048x1xf32> to vector<2048x128xf32>
    %mul3A_16 = arith.mulf %mul3A, %add3A_15 : vector<2048x128xf32>
    %get3A_17 = arith.constant 0 : index
    %get3A_18 = arith.constant 0 : index
    %get3A_19 = vector.load %arg5[%get3A_17, %get3A_18] : memref<1x128xf32, #tpu.memory_space<vmem>>, vector<1x128xf32>
    %add3A_20 = vector.broadcast %get3A_19 : vector<1x128xf32> to vector<2048x128xf32>
    %add3A_21 = arith.addf %mul3A_16, %add3A_20 : vector<2048x128xf32>
    %max3A = arith.constant 0.000000e+00 : f32
    %max3A_22 = vector.broadcast %max3A : f32 to vector<2048x128xf32>
    %max3A_23 = arith.maximumf %add3A_21, %max3A_22 : vector<2048x128xf32>
    %get3A_24 = arith.constant 0 : index
    %get3A_25 = arith.constant 0 : index
    %get3A_26 = vector.load %arg6[%get3A_24, %get3A_25] : memref<128x128xf32, #tpu.memory_space<vmem>>, vector<128x128xf32>
    %dot_general3A = arith.constant dense<0.000000e+00> : vector<2048x128xf32>
    %dot_general3A_27 = tpu.matmul %max3A_23, %get3A_26, %dot_general3A {dimension_numbers = #tpu.dot_dimension_numbers<[1], [0], [0], [1], [0, 0, 1, 1], [], []>, transpose_lhs_hint = false} : vector<2048x128xf32>, vector<128x128xf32>, vector<2048x128xf32> -> vector<2048x128xf32>
    %broadcast_in_dim3A_28 = vector.shape_cast %rsqrt3A : vector<2048xf32> to vector<2048x1xf32>
    %mul3A_29 = vector.broadcast %broadcast_in_dim3A_28 : vector<2048x1xf32> to vector<2048x128xf32>
    %mul3A_30 = arith.mulf %dot_general3A_27, %mul3A_29 : vector<2048x128xf32>
    %swap3A = arith.constant 0 : index
    %swap3A_31 = arith.constant 0 : index
    %swap3A_32 = vector.load %arg7[%swap3A, %swap3A_31] : memref<2048x128xf32, #tpu.memory_space<vmem>>, vector<2048x128xf32>
    tpu.vector_store %arg7[%swap3A, %swap3A_31], %mul3A_30 {strides = array<i32>} : memref<2048x128xf32, #tpu.memory_space<vmem>>, vector<2048x128xf32>,
    return
  }
  func.func @transform_0(%arg0: i32) -> (i32, i32) {
    %c0_i32 = arith.constant 0 : i32
    %c0_i32_0 = arith.constant 0 : i32
    return %arg0, %c0_i32 : i32, i32
  }
  func.func @transform_1(%arg0: i32) -> (i32, i32) {
    %c0_i32 = arith.constant 0 : i32
    %c0_i32_0 = arith.constant 0 : i32
    return %arg0, %c0_i32 : i32, i32
  }
  func.func @transform_2(%arg0: i32) -> (i32, i32) {
    %c0_i32 = arith.constant 0 : i32
    %c0_i32_0 = arith.constant 0 : i32
    return %arg0, %c0_i32 : i32, i32
  }
  func.func @transform_3(%arg0: i32) -> (i32, i32) {
    %c0_i32 = arith.constant 0 : i32
    %c0_i32_0 = arith.constant 0 : i32
    return %c0_i32, %arg0 : i32, i32
  }
  func.func @transform_4(%arg0: i32) -> (i32, i32) {
    %c0_i32 = arith.constant 0 : i32
    %c0_i32_0 = arith.constant 0 : i32
    %c0_i32_1 = arith.constant 0 : i32
    return %c0_i32, %c0_i32_0 : i32, i32
  }
  func.func @transform_5(%arg0: i32) -> (i32, i32) {
    %c0_i32 = arith.constant 0 : i32
    %c0_i32_0 = arith.constant 0 : i32
    %c0_i32_1 = arith.constant 0 : i32
    return %c0_i32, %c0_i32_0 : i32, i32
  }
  func.func @transform_6(%arg0: i32) -> (i32, i32) {
    %c0_i32 = arith.constant 0 : i32
    %c0_i32_0 = arith.constant 0 : i32
    return %arg0, %c0_i32 : i32, i32
  }
}

module attributes {stable_mosaic.version = 14 : i64} {
  func.func @_t3_body(%arg0: i32, %arg1: memref<2048x128xf32, #tpu.memory_space<vmem>>, %arg2: memref<2048x128xf32, #tpu.memory_space<vmem>>, %arg3: memref<2048x128xf32, #tpu.memory_space<vmem>>, %arg4: memref<32x2048xf32, #tpu.memory_space<vmem>>, %arg5: memref<1x128xf32, #tpu.memory_space<vmem>>, %arg6: memref<2048x128xf32, #tpu.memory_space<vmem>>) attributes {dimension_semantics = [#tpu.dimension_semantics<arbitrary>], iteration_bounds = array<i64: 5>, scalar_prefetch = 0 : i64, scratch_operands = 0 : i64, tpu.core_type = #tpu.core_type<tc>, window_params = [{transform_indices = @transform_0, window_bounds = array<i64: 2048, 128>}, {transform_indices = @transform_1, window_bounds = array<i64: 2048, 128>}, {transform_indices = @transform_2, window_bounds = array<i64: 2048, 128>}, {transform_indices = @transform_3, window_bounds = array<i64: 32, 2048>}, {pipeline_mode = #tpu.pipeline_mode<synchronous>, transform_indices = @transform_4, window_bounds = array<i64: 1, 128>}, {transform_indices = @transform_5, window_bounds = array<i64: 2048, 128>}]} {
    %get3A = arith.constant 0 : index
    %get3A_0 = arith.constant 0 : index
    %get3A_1 = vector.load %arg4[%get3A, %get3A_0] : memref<32x2048xf32, #tpu.memory_space<vmem>>, vector<32x2048xf32>
    %reduce_sum3A = arith.constant dense<0.000000e+00> : vector<2048xf32>
    %reduce_sum3A_2 = vector.multi_reduction <add>, %get3A_1, %reduce_sum3A [0] : vector<32x2048xf32> to vector<2048xf32>
    %add3A = arith.constant 1.000000e+00 : f32
    %add3A_3 = vector.broadcast %add3A : f32 to vector<2048xf32>
    %add3A_4 = arith.addf %reduce_sum3A_2, %add3A_3 : vector<2048xf32>
    %rsqrt3A = math.rsqrt %add3A_4 : vector<2048xf32>
    %broadcast_in_dim3A = vector.shape_cast %rsqrt3A : vector<2048xf32> to vector<2048x1xf32>
    %get3A_5 = arith.constant 0 : index
    %get3A_6 = arith.constant 0 : index
    %get3A_7 = vector.load %arg1[%get3A_5, %get3A_6] : memref<2048x128xf32, #tpu.memory_space<vmem>>, vector<2048x128xf32>
    %get3A_8 = arith.constant 0 : index
    %get3A_9 = arith.constant 0 : index
    %get3A_10 = vector.load %arg2[%get3A_8, %get3A_9] : memref<2048x128xf32, #tpu.memory_space<vmem>>, vector<2048x128xf32>
    %add3A_11 = arith.addf %get3A_7, %get3A_10 : vector<2048x128xf32>
    %get3A_12 = arith.constant 0 : index
    %get3A_13 = arith.constant 0 : index
    %get3A_14 = vector.load %arg3[%get3A_12, %get3A_13] : memref<2048x128xf32, #tpu.memory_space<vmem>>, vector<2048x128xf32>
    %add3A_15 = arith.addf %add3A_11, %get3A_14 : vector<2048x128xf32>
    %mul3A = vector.broadcast %broadcast_in_dim3A : vector<2048x1xf32> to vector<2048x128xf32>
    %mul3A_16 = arith.mulf %mul3A, %add3A_15 : vector<2048x128xf32>
    %get3A_17 = arith.constant 0 : index
    %get3A_18 = arith.constant 0 : index
    %get3A_19 = vector.load %arg5[%get3A_17, %get3A_18] : memref<1x128xf32, #tpu.memory_space<vmem>>, vector<1x128xf32>
    %add3A_20 = vector.broadcast %get3A_19 : vector<1x128xf32> to vector<2048x128xf32>
    %add3A_21 = arith.addf %mul3A_16, %add3A_20 : vector<2048x128xf32>
    %max3A = arith.constant 0.000000e+00 : f32
    %max3A_22 = vector.broadcast %max3A : f32 to vector<2048x128xf32>
    %max3A_23 = arith.maximumf %add3A_21, %max3A_22 : vector<2048x128xf32>
    %swap3A = arith.constant 0 : index
    %swap3A_24 = arith.constant 0 : index
    %swap3A_25 = vector.load %arg6[%swap3A, %swap3A_24] : memref<2048x128xf32, #tpu.memory_space<vmem>>, vector<2048x128xf32>
    tpu.vector_store %arg6[%swap3A, %swap3A_24], %max3A_23 {strides = array<i32>} : memref<2048x128xf32, #tpu.memory_space<vmem>>, vector<2048x128xf32>,
    return
  }
  func.func @transform_0(%arg0: i32) -> (i32, i32) {
    %c0_i32 = arith.constant 0 : i32
    %c0_i32_0 = arith.constant 0 : i32
    return %arg0, %c0_i32 : i32, i32
  }
  func.func @transform_1(%arg0: i32) -> (i32, i32) {
    %c0_i32 = arith.constant 0 : i32
    %c0_i32_0 = arith.constant 0 : i32
    return %arg0, %c0_i32 : i32, i32
  }
  func.func @transform_2(%arg0: i32) -> (i32, i32) {
    %c0_i32 = arith.constant 0 : i32
    %c0_i32_0 = arith.constant 0 : i32
    return %arg0, %c0_i32 : i32, i32
  }
  func.func @transform_3(%arg0: i32) -> (i32, i32) {
    %c0_i32 = arith.constant 0 : i32
    %c0_i32_0 = arith.constant 0 : i32
    return %c0_i32, %arg0 : i32, i32
  }
  func.func @transform_4(%arg0: i32) -> (i32, i32) {
    %c0_i32 = arith.constant 0 : i32
    %c0_i32_0 = arith.constant 0 : i32
    %c0_i32_1 = arith.constant 0 : i32
    return %c0_i32, %c0_i32_0 : i32, i32
  }
  func.func @transform_5(%arg0: i32) -> (i32, i32) {
    %c0_i32 = arith.constant 0 : i32
    %c0_i32_0 = arith.constant 0 : i32
    return %arg0, %c0_i32 : i32, i32
  }
}

</mosaic_0001>

<sc_bundles>
// kernel: kernel.11.cloned.1.call-start
scs
__scs_entry_jumppad:
0x0: {  	(pc) =	sbr.rel $0x88, $3  }
0x1: {  	(tag) =	ssettag $0x0;
	lr =	simm.s32 $0x1  }
0x2: {  	[smem:$0x3F9B] =	sst lr;
	_ =	strace $0xD0000000  }
0x3: {  	_ = 	snop  }
0x4: {  	_ = 	snop  }
0x5: {  	_ = 	snop  }
0x6: {  	_ = 	snop  }
0x7: {  	_ = 	snop  }
__scs_overlays_trampoline_lowered:
0x8: {  	[smem:$0x3FAA] =	sst s0  }
0x9: {  	[smem:$0x3FAB] =	sst s1  }
0xa: {  	[smem:$0x3FAC] =	sst s2  }
0xb: {  	[smem:$0x3FAD] =	sst s3  }
0xc: {  	[smem:$0x3FAE] =	sst s4  }
0xd: {  	[smem:$0x3FAF] =	sst s5  }
0xe: {  	[smem:$0x3FB0] =	sst s6  }
0xf: {  	[smem:$0x3FB1] =	sst s7  }
0x10: {  	[smem:$0x3FB2] =	sst s8  }
0x11: {  	[smem:$0x3FB3] =	sst s9;
	s0 =	simm.s32 @!p0 $0x0  }
0x12: {  	s1 =	sld [smem:$0x3F99];
	s0 =	simm.s32 @p0 $0x1  }
0x13: {  	[smem:$0x3FB4] =	sst s0;
	s0 =	simm.s32 @!p1 $0x0  }
0x14: {  	s2 =	sld [smem:$0x3F98];
	s0 =	simm.s32 @p1 $0x1  }
0x15: {  	[smem:$0x3FB5] =	sst s0;
	s0 =	simm.s32 @!p2 $0x0  }
0x16: {  	s3 =	sld [smem:$0x3FDB];
	s0 =	simm.s32 @p2 $0x1  }
0x17: {  	s4 =	simm.s32 $0x1BF5;
	[smem:$0x3FB7] =	sst s0  }
0x18: {  	s0 =	sld [smem:$0x3F9A];
	_ =	swait.ge [sflag:s4], $0x0  }
0x19: {  	s7 =	sld [smem:$0x3F9B]  }
0x1a: {  	s8 =	sadd.s32 $0xFFFFE003, lr  }
0x1b: {  	s9 =	sadd.s32 $0xFFFFFEF7, lr;
	s5 =	simm.s32 $0xFFFFFFFF;
	p2 =	slt.u32 s8, $0xFFFFF086  }
0x1c: {  	p1 =	slt.u32 s9, $0xF7A;
	s5 =	simm.s32 @!p2 $0x0  }
0x1d: {  	s5 =	simm.s32 @p1 $0x1;
	p0 =	seq.s32 s7, s2  }
0x1e: {  	s7 =	smul.u32 @!p0 $0xF7A, s2;
	p2 =	seq.s32 @!p0 s5, $0x0  }
0x1f: {  	s9 =	smul.u32 $0xF7A, s1;
	s8 =	simm.s32 @!p0 $0x1BF5;
	p2 =	por !p2, p0  }
0x20: {  	[sflag:s8] =	ssyncset.s32 @!p0 $0xFFFFF086;
	s6 =	sadd.s32 @!p0 s3, s7;
	s7 =	simm.s32 @!p0 $0x108  }
0x21: {  	s3 =	sadd.s32 s3, s9;
	s6 =	sadd.s32 @!p0 $0x88, s6;
	s7 =	simm.s32 @p2 $0x1082  }
0x22: {  	[simem:s7], [sflag:s8] =	dma.local @!p0 [hbm:s6], $0xF7A  }
0x23: {  	s9 =	sor.u32 $0xD0000000, s2;
	s6 =	simm.s32 $0x108;
	_ =	swait.ge @!p0 [sflag:s8], $0x0  }
0x24: {  	s3 =	sadd.s32 $0x88, s3;
	s6 =	simm.s32 @!p1 $0x1082;
	[sflag:s4] =	ssyncset.s32 $0xFFFFF086  }
0x25: {  	[simem:s6], [sflag:s4] =	dma.local [hbm:s3], $0xF7A  }
0x26: {  	[smem:$0x3F9B] =	sst s1;
	(tag) =	ssettag s2;
	_ =	strace s9  }
0x27: {  	s1 =	sld [smem:$0x3FAB]  }
0x28: {  	s2 =	sld [smem:$0x3FAC]  }
0x29: {  	s4 =	sld [smem:$0x3FAE]  }
0x2a: {  	p0 =	seq.s32 s5, $0x0;
	s5 =	sld [smem:$0x3FAF]  }
0x2b: {  	s6 =	sld [smem:$0x3FB0]  }
0x2c: {  	s7 =	sld [smem:$0x3FB1]  }
0x2d: {  	s3 =	simm.s32 $0x108;
	s8 =	sld [smem:$0x3FB2]  }
0x2e: {  	s3 =	simm.s32 @!p0 $0x1082;
	s9 =	sld [smem:$0x3FB3]  }
0x2f: {  	lr =	sadd.s32 s0, s3;
	s0 =	sld [smem:$0x3FAA]  }
0x30: {  	s3 =	sld [smem:$0x3FAD]  }
0x31: {  	[smem:$0x3FB6] =	sst s10  }
0x32: {  	s10 =	sld [smem:$0x3FB4];
	_ =	sdelay $0x3  }
0x33: {  	p0 =	seq.s32 s10, $0x1;
	s10 =	sld [smem:$0x3FB6];
	_ =	sdelay $0x3  }
0x34: {  	[smem:$0x3FB6] =	sst s10  }
0x35: {  	s10 =	sld [smem:$0x3FB5];
	_ =	sdelay $0x3  }
0x36: {  	p1 =	seq.s32 s10, $0x1;
	s10 =	sld [smem:$0x3FB6];
	_ =	sdelay $0x3  }
0x37: {  	[smem:$0x3FB6] =	sst s10  }
0x38: {  	s10 =	sld [smem:$0x3FB7]  }
0x39: {  	_ = 	snop;
	(pc) =	sbr.ind lr, $3  }
0x3a: {  	_ = 	snop  }
0x3b: {  	_ = 	snop  }
0x3c: {  	p2 =	seq.s32 s10, $0x1;
	s10 =	sld [smem:$0x3FB6]  }
0x3d: {  	_ =	shalt  }
0x3e: {  	_ =	shalt  }
0x3f: {  	_ =	shalt  }
0x40: {  	_ =	shalt  }
0x41: {  	_ =	shalt  }
0x42: {  	_ =	shalt  }
0x43: {  	_ =	shalt  }
0x44: {  	_ =	shalt  }
0x45: {  	_ =	shalt  }
0x46: {  	_ =	shalt  }
0x47: {  	_ =	shalt  }
0x48: {  	_ =	shalt  }
0x49: {  	_ =	shalt  }
0x4a: {  	_ =	shalt  }
0x4b: {  	_ =	shalt  }
0x4c: {  	_ =	shalt  }
0x4d: {  	_ =	shalt  }
0x4e: {  	_ =	shalt  }
0x4f: {  	_ =	shalt  }
0x50: {  	_ =	shalt  }
0x51: {  	_ =	shalt  }
0x52: {  	_ =	shalt  }
0x53: {  	_ =	shalt  }
0x54: {  	_ =	shalt  }
0x55: {  	_ =	shalt  }
0x56: {  	_ =	shalt  }
0x57: {  	_ =	shalt  }
0x58: {  	_ =	shalt  }
0x59: {  	_ =	shalt  }
0x5a: {  	_ =	shalt  }
0x5b: {  	_ =	shalt  }
0x5c: {  	_ =	shalt  }
0x5d: {  	_ =	shalt  }
0x5e: {  	_ =	shalt  }
0x5f: {  	_ =	shalt  }
0x60: {  	_ =	shalt  }
0x61: {  	_ =	shalt  }
0x62: {  	_ =	shalt  }
0x63: {  	_ =	shalt  }
0x64: {  	_ =	shalt  }
0x65: {  	_ =	shalt  }
0x66: {  	_ =	shalt  }
0x67: {  	_ =	shalt  }
0x68: {  	_ =	shalt  }
0x69: {  	_ =	shalt  }
0x6a: {  	_ =	shalt  }
0x6b: {  	_ =	shalt  }
0x6c: {  	_ =	shalt  }
0x6d: {  	_ =	shalt  }
0x6e: {  	_ =	shalt  }
0x6f: {  	_ =	shalt  }
0x70: {  	_ =	shalt  }
0x71: {  	_ =	shalt  }
0x72: {  	_ =	shalt  }
0x73: {  	_ =	shalt  }
0x74: {  	_ =	shalt  }
0x75: {  	_ =	shalt  }
0x76: {  	_ =	shalt  }
0x77: {  	_ =	shalt  }
0x78: {  	_ =	shalt  }
0x79: {  	_ =	shalt  }
0x7a: {  	_ =	shalt  }
0x7b: {  	_ =	shalt  }
0x7c: {  	_ =	shalt  }
0x7d: {  	_ =	shalt  }
0x7e: {  	_ =	shalt  }
0x7f: {  	_ =	shalt  }
0x80: {  	_ =	shalt  }
0x81: {  	_ =	shalt  }
0x82: {  	_ =	shalt  }
0x83: {  	_ =	shalt  }
0x84: {  	_ =	shalt  }
0x85: {  	_ =	shalt  }
0x86: {  	_ =	shalt  }
0x87: {  	_ =	shalt  }
.Lfunc_end0:
.L_simem_size_0:
called_computation.1_lowered:
.L_overlay_start_0:
0x88: {  	s2 =	sld [smem:$0x3FD9]  }
0x89: {  	s3 =	sld [smem:$0x3FFE];
	_ =	sdelay $0x1  }
0x8a: {  	s1 =	srdreg.scid  }
0x8b: {  	s0 =	sand.u32 $0x1, s1  }
0x8c: {  	s16 =	sshll.u32 s0, $0xA;
	s2 =	sadd.s32 s3, s2  }
0x8d: {  	s2 =	sadd.s32 s2, s16  }
0x8e: {  	[smem:$0x3FC2] =	sst s2  }
0x8f: {  	_ = 	snop  }
0x90: {  	(tm) =	ssettm $0x1  }
0x91: {  	s17 =	sld [smem:$0x3FFB];
	_ =	sdelay $0x3  }
0x92: {  	_ =	strace s17  }
0x93: {  	s2 =	sld [smem:$0x3FFC];
	_ =	sdelay $0x3  }
0x94: {  	_ =	strace s2  }
0x95: {  	s2 =	sld [smem:$0x3FFD];
	_ =	sdelay $0x3  }
0x96: {  	_ =	strace s2  }
0x97: {  	_ =	strace $0x8FFFFFFF  }
0x98: {  	s18 =	sld [smem:$0x3FDB];
	_ =	sdelay $0x1  }
0x99: {  	s19 =	simm.s32 $_scs_section_size  }
0x9a: {  	s4 =	simm.s32 $_size__tile_overlayer_lowered;
	s5 =	simm.s32 $_tile_overlayer_lowered  }
0x9b: {  	s22 =	simm.s32 $0x1BFF;
	s21 =	sshll.u32 s5, $0x1;
	s2 =	sadd.s32 s19, s18  }
0x9c: {  	s6 =	simm.s32 $0x0;
	s20 =	sshll.u32 s4, $0x1;
	s4 =	sadd.s32 s21, s2  }
0x9d: {  	[timem:s6], [sflag:s22] =	dma.local [hbm:s4], s20  }
0x9e: {  	_ =	swait.ge [sflag:s22], s20  }
0x9f: {  	s3 =	ssub.s32 $0x0, s20;
	[sflag:s22] =	ssyncset.done $0x0  }
0xa0: {  	[sflag:s22] =	ssyncadd.s32 s3;
	_ =	sdelay $0x1  }
0xa1: {  	s23 =	simm.s32 $0x1B8B  }
0xa2: {  	_ =	swait.ge [sflag:s23], $0x1  }
0xa3: {  	[sflag:s23] =	ssyncset.done $0x0  }
0xa4: {  	s25 =	simm.s32 $0x1B8E;
	s24 =	sld [smem:$0x3FFE];
	[sflag:s23] =	ssyncadd.s32 $0xFFFFFFFF  }
0xa5: {  	s26 =	simm.s32 $execute0_lowered;
	[smem:$0x3FD2] =	sst s25  }
0xa6: {  	s4 =	sshll.u32 s26, $0x1;
	_ =	strace $0x80000049;
	[dreg:$0x1] =	wrdreg $0xFFFFFFFF  }
0xa7: {  	s28 =	simm.s32 $_size_execute0_lowered;
	s2 =	sadd.s32 s2, s4;
	[dreg:$0x0] =	wrdreg $0x0  }
0xa8: {  	s4 =	sshll.u32 s28, $0x1;
	[dreg:$0x2] =	wrdreg s2  }
0xa9: {  	[dreg:$0x3] =	wrdreg s4  }
0xaa: {  	[dreg:$0x4] =	wrdreg $0xC0  }
0xab: {  	_ =	task [dreg:s6], $0x5FFFF  }
0xac: {  	[dreg:$0x1] =	wrdreg $0xFFFFFFFF  }
0xad: {  	[dreg:$0x0] =	wrdreg $0x60  }
0xae: {  	[dreg:$0x2] =	wrdreg s24  }
0xaf: {  	[dreg:$0x3] =	wrdreg $0x61000  }
0xb0: {  	[dreg:$0x4] =	wrdreg $0x9  }
0xb1: {  	_ =	task.clear_ibuf [dreg:s6], $0x5FFFF;
	_ =	strace $0x90000049  }
0xb2: {  	s29 =	simm.s32 $0x9;
	_ =	strace $0x8000004B  }
0xb3: {  	_ =	swait.ge [sflag:s29], $0x1  }
0xb4: {  	[sflag:s29] =	ssyncadd.s32 $0xFFFFFFFF  }
0xb5: {  	_ =	strace $0x9000004B  }
0xb6: {  	_ =	sfence  }
0xb7: {  	s30 =	sld [smem:$0x0];
	_ =	sdelay $0x2  }
0xb8: {  	s31 =	sshll.u32 s1, $0xD;
	s1 =	sshrl.u32 s1, $0x2  }
0xb9: {  	s3 =	sand.u32 $0x4000, s31;
	s1 =	sadd.s32 s1, s30  }
0xba: {  	s0 =	sor.u32 s3, s0;
	s1 =	sshll.u32 s1, $0x11  }
0xbb: {  	s0 =	sor.u32 s1, s0  }
0xbc: {  	s0 =	sadd.s32 $0x8F2B, s0  }
0xbd: {  	[sflag:s0] =	ssyncadd.remote.s32 $0x1  }
0xbe: {  	_ =	sfence.sel $0xFFFF  }
0xbf: {  	[dreg:$0x0] =	wrdreg $0xFFFFFFFF;
	(pc) =	sbr.abs _section_cstart, $3  }
0xc0: {  	[dreg:$0x1] =	wrdreg $0xFFFFFFFF  }
0xc1: {  	_ =	task.clear_ibuf [dreg:s6], $0x2FFFF;
	_ =	strace $0x9FFFFFFF  }
0xc2: {  	(tm) =	ssettm $0x7FFFFFFF  }
0xc3: {  	_ =	shalt  }
tec
execute0_lowered:
.L_overlay_start_1:
0x0: {  	(tag) =	ssettag $0x1  }
0x1: {  	s5 =	rddreg [dreg:$0x0];
	s0 =	srdreg.scid  }
0x2: {  	s1 =	rddreg [dreg:$0x1];
	s3 =	simm.s32 $0x0;
	s2 =	stileid.u32  }
0x3: {  	s19 =	simm.s32 $0x4100;
	s20 =	simm.s32 $0x2;
	s21 =	simm.s32 $0x80  }
0x4: {  	s22 =	simm.s32 $0x100;
	s23 =	simm.s32 $0x1;
	s9 =	smul.u32 $0x14000, s2  }
0x5: {  	s6 =	sand.u32 $0x1, s0;
	s0 =	rddreg [dreg:$0x2];
	s10 =	smul.u32 $0x50000, s2  }
0x6: {  	s24 =	simm.s32 $0x0;
	[smem:$0x7FF] =	sst s3;
	s7 =	smul.u32 $0x4F00, s6  }
0x7: {  	s4 =	sadd.s32 $0x16400, s5;
	s8 =	smul.u32 $0x140000, s6;
	s6 =	ssub.s32 $0x2, s6  }
0x8: {  	s17 =	smul.u32 $0x4F0, s2;
	_ =	strace $0x8000004A;
	s30 =	sshrl.u32 s6, $0x1  }
0x9: {  	s31 =	sshrl.u32 s10, $0x2;
	s16 =	sadd.s32 s7, s5;
	s29 =	sadd.s32 s9, s8  }
0xa: {  	s8 =	ssub.s32 s6, s30;
	s7 =	sshrl.u32 s29, $0x3;
	s18 =	sadd.s32 s17, s16  }
0xb: {  	s7 =	sadd.s32 s7, s5;
	s5 =	sadd.s32 s31, s1;
	s17 =	sadd.s32 $0x2800, s18  }
0xc: {  	s18 =	sadd.s32 $0xC600, s18;
	s6 =	sadd.s32 $0x3E400, s7;
	s7 =	smax.u32 s8, $0x1  }
0xd: {  	s8 =	sadd.s32 $0x2000, s5;
	s9 =	sadd.s32 $0x4000, s5;
	s10 =	sadd.s32 $0x6000, s5  }
0xe: {  	s11 =	sadd.s32 $0x8000, s5;
	s12 =	sadd.s32 $0xA000, s5;
	s13 =	sadd.s32 $0xC000, s5  }
0xf: {  	v0 =	vimm.f32 $0.0e+00;
	s14 =	sadd.s32 $0xE000, s5;
	s15 =	sadd.s32 $0x10000, s5;
	s16 =	sadd.s32 $0x12000, s5  }
.LBB2_1:
0x10: {  	s25 =	simm.s32 $0x0;
	s26 =	simm.s32 $0x200  }
.LBB2_2:
0x11: {  	p0 =	sne.s32 s26, $0x7E00;
	[tilespmem:s25+$0x4170] =	vst v0  }
0x12: {  	[tilespmem:s25+$0x4100] =	vst v0  }
0x13: {  	[tilespmem:s25+$0x4110] =	vst v0  }
.Ltmp0:
0x14: {  	[tilespmem:s25+$0x4120] =	vst v0;
	(pc) =	sbr.rel @p0 .LBB2_2-.Ltmp0, $4  }
0x15: {  	[tilespmem:s25+$0x4130] =	vst v0  }
0x16: {  	[tilespmem:s25+$0x4140] =	vst v0  }
0x17: {  	[tilespmem:s25+$0x4150] =	vst v0  }
0x18: {  	[tilespmem:s25+$0x4160] =	vst v0;
	s25 =	sshra.s32 s26, $0x2;
	s26 =	sadd.s32 $0x200, s26  }
0x19: {  	[tilespmem:s25+$0x4170] =	vst v0  }
0x1a: {  	[tilespmem:s25+$0x4100] =	vst v0  }
0x1b: {  	[tilespmem:s25+$0x4110] =	vst v0  }
0x1c: {  	[tilespmem:s25+$0x4120] =	vst v0  }
0x1d: {  	[tilespmem:s25+$0x4130] =	vst v0  }
0x1e: {  	[tilespmem:s25+$0x4140] =	vst v0  }
0x1f: {  	[tilespmem:s25+$0x4150] =	vst v0  }
0x20: {  	[tilespmem:s25+$0x4160] =	vst v0  }
0x21: {  	[spmem:s5] =	stream.linear.scatter [tilespmem:s19], [sflag:$0x2], $0x2000, $0x38;
	[tilespmem:$0x1A100] =	vst v63  }
0x22: {  	_ =	swait.ge [sflag:s20], $0x2000  }
0x23: {  	[sflag:s20] =	ssyncset.done $0x0  }
0x24: {  	[sflag:s20] =	ssyncadd.s32 $0xFFFFE000  }
0x25: {  	[spmem:s8] =	stream.linear.scatter [tilespmem:s19], [sflag:$0x2], $0x2000, $0x38;
	[tilespmem:$0x1A100] =	vst v63  }
0x26: {  	_ =	swait.ge [sflag:s20], $0x2000  }
0x27: {  	[sflag:s20] =	ssyncset.done $0x0  }
0x28: {  	[sflag:s20] =	ssyncadd.s32 $0xFFFFE000  }
0x29: {  	[spmem:s9] =	stream.linear.scatter [tilespmem:s19], [sflag:$0x2], $0x2000, $0x38;
	[tilespmem:$0x1A100] =	vst v63  }
0x2a: {  	_ =	swait.ge [sflag:s20], $0x2000  }
0x2b: {  	[sflag:s20] =	ssyncset.done $0x0  }
0x2c: {  	[sflag:s20] =	ssyncadd.s32 $0xFFFFE000  }
0x2d: {  	[spmem:s10] =	stream.linear.scatter [tilespmem:s19], [sflag:$0x2], $0x2000, $0x38;
	[tilespmem:$0x1A100] =	vst v63  }
0x2e: {  	_ =	swait.ge [sflag:s20], $0x2000  }
0x2f: {  	[sflag:s20] =	ssyncset.done $0x0  }
0x30: {  	[sflag:s20] =	ssyncadd.s32 $0xFFFFE000  }
0x31: {  	[spmem:s11] =	stream.linear.scatter [tilespmem:s19], [sflag:$0x2], $0x2000, $0x38;
	[tilespmem:$0x1A100] =	vst v63  }
0x32: {  	_ =	swait.ge [sflag:s20], $0x2000  }
0x33: {  	[sflag:s20] =	ssyncset.done $0x0  }
0x34: {  	[sflag:s20] =	ssyncadd.s32 $0xFFFFE000  }
0x35: {  	[spmem:s12] =	stream.linear.scatter [tilespmem:s19], [sflag:$0x2], $0x2000, $0x38;
	[tilespmem:$0x1A100] =	vst v63  }
0x36: {  	_ =	swait.ge [sflag:s20], $0x2000  }
0x37: {  	[sflag:s20] =	ssyncset.done $0x0  }
0x38: {  	[sflag:s20] =	ssyncadd.s32 $0xFFFFE000  }
0x39: {  	[spmem:s13] =	stream.linear.scatter [tilespmem:s19], [sflag:$0x2], $0x2000, $0x38;
	[tilespmem:$0x1A100] =	vst v63  }
0x3a: {  	_ =	swait.ge [sflag:s20], $0x2000  }
0x3b: {  	[sflag:s20] =	ssyncset.done $0x0  }
0x3c: {  	[sflag:s20] =	ssyncadd.s32 $0xFFFFE000  }
0x3d: {  	[spmem:s14] =	stream.linear.scatter [tilespmem:s19], [sflag:$0x2], $0x2000, $0x38;
	[tilespmem:$0x1A100] =	vst v63  }
0x3e: {  	_ =	swait.ge [sflag:s20], $0x2000  }
0x3f: {  	[sflag:s20] =	ssyncset.done $0x0  }
0x40: {  	[sflag:s20] =	ssyncadd.s32 $0xFFFFE000  }
0x41: {  	[spmem:s15] =	stream.linear.scatter [tilespmem:s19], [sflag:$0x2], $0x2000, $0x38;
	[tilespmem:$0x1A100] =	vst v63  }
0x42: {  	_ =	swait.ge [sflag:s20], $0x2000  }
0x43: {  	[sflag:s20] =	ssyncset.done $0x0  }
0x44: {  	[sflag:s20] =	ssyncadd.s32 $0xFFFFE000  }
0x45: {  	[spmem:s16] =	stream.linear.scatter [tilespmem:s19], [sflag:$0x2], $0x2000, $0x38;
	[tilespmem:$0x1A100] =	vst v63  }
0x46: {  	_ =	swait.ge [sflag:s20], $0x2000  }
0x47: {  	[sflag:s20] =	ssyncset.done $0x0  }
0x48: {  	[sflag:s20] =	ssyncadd.s32 $0xFFFFE000  }
0x49: {  	s30 =	sadd.s32 $0x0, s18;
	[bflag:$0x0] =	sbarrier.arrive $0xFFFF  }
0x4a: {  	[tilespmem:s3], [sflag:$0x2] =	stream.linear.gather [hbm4b:s30+s3], $0x80, $0x38;
	[tilespmem:$0x1A100] =	vst v63  }
0x4b: {  	_ =	swait.ge [sflag:s20], $0x80  }
0x4c: {  	[sflag:s20] =	ssyncset.done $0x0  }
0x4d: {  	s31 =	sadd.s32 $0x0, s17;
	[sflag:s20] =	ssyncadd.s32 $0xFFFFFF80  }
0x4e: {  	[tilespmem:s21], [sflag:$0x2] =	stream.linear.gather [hbm4b:s31+s3], $0x80, $0x38;
	[tilespmem:$0x1A100] =	vst v63  }
0x4f: {  	_ =	swait.ge [sflag:s20], $0x80  }
0x50: {  	[sflag:s20] =	ssyncset.done $0x0  }
0x51: {  	[sflag:s20] =	ssyncadd.s32 $0xFFFFFF80  }
0x52: {  	[tilespmem:s22], [sflag:$0x1] =	stream.indirect.gather [hbm4b:s4+s21], $0x80, s3, s21, $0xb8;
	[tilespmem:$0x1A100] =	vst v63  }
0x53: {  	_ =	swait.ge [sflag:s23], $0x4000  }
0x54: {  	[sflag:s23] =	ssyncset.done $0x0  }
0x55: {  	[sflag:s23] =	ssyncadd.s32 $0xFFFFC000  }
0x56: {  	[spmem:s1] =	stream.indirect.scatter.add.f32 [tilespmem:s22], [sflag:$0x2], $0x80, s21, s21, $0xb8;
	[tilespmem:$0x1A100] =	vst v63  }
0x57: {  	_ =	swait.ge [sflag:s20], $0x4000  }
0x58: {  	s25 =	simm.s32 $0x10;
	s26 =	simm.s32 $0x20;
	[sflag:s20] =	ssyncset.done $0x0  }
.LBB2_4:
0x59: {  	s28 =	sadd.s32 s25, s18  }
0x5a: {  	[sflag:s20] =	ssyncadd.s32 $0xFFFFC000;
	s29 =	smov.u32 s26;
	s30 =	sadd.s32 $0x10, s26  }
0x5b: {  	[tilespmem:s3], [sflag:$0x2] =	stream.linear.gather [hbm4b:s28+s3], $0x80, $0x38;
	[tilespmem:$0x1A100] =	vst v63  }
0x5c: {  	p0 =	sne.s32 s26, $0x4E0;
	_ =	swait.ge [sflag:s20], $0x80  }
0x5d: {  	[sflag:s20] =	ssyncset.done $0x0  }
0x5e: {  	s26 =	sadd.s32 s25, s17;
	s25 =	smov.u32 s29;
	[sflag:s20] =	ssyncadd.s32 $0xFFFFFF80  }
0x5f: {  	[tilespmem:s21], [sflag:$0x2] =	stream.linear.gather [hbm4b:s26+s3], $0x80, $0x38;
	[tilespmem:$0x1A100] =	vst v63  }
0x60: {  	_ =	swait.ge [sflag:s20], $0x80  }
0x61: {  	[sflag:s20] =	ssyncset.done $0x0  }
0x62: {  	[sflag:s20] =	ssyncadd.s32 $0xFFFFFF80  }
0x63: {  	[tilespmem:s22], [sflag:$0x1] =	stream.indirect.gather [hbm4b:s4+s21], $0x80, s3, s21, $0xb8;
	[tilespmem:$0x1A100] =	vst v63  }
0x64: {  	_ =	swait.ge [sflag:s23], $0x4000  }
.Ltmp1:
0x65: {  	[sflag:s23] =	ssyncset.done $0x0;
	(pc) =	sbr.rel @p0 .LBB2_4-.Ltmp1, $4  }
0x66: {  	[sflag:s23] =	ssyncadd.s32 $0xFFFFC000  }
0x67: {  	[spmem:s1] =	stream.indirect.scatter.add.f32 [tilespmem:s22], [sflag:$0x2], $0x80, s21, s21, $0xb8;
	[tilespmem:$0x1A100] =	vst v63  }
0x68: {  	_ =	swait.ge [sflag:s20], $0x4000  }
0x69: {  	s26 =	smov.u32 s30;
	[sflag:s20] =	ssyncset.done $0x0  }
0x6a: {  	s26 =	sadd.s32 s25, s18;
	[sflag:s20] =	ssyncadd.s32 $0xFFFFC000  }
0x6b: {  	[tilespmem:s3], [sflag:$0x2] =	stream.linear.gather [hbm4b:s26+s3], $0x80, $0x38;
	[tilespmem:$0x1A100] =	vst v63  }
0x6c: {  	_ =	swait.ge [sflag:s20], $0x80  }
0x6d: {  	[sflag:s20] =	ssyncset.done $0x0  }
0x6e: {  	s29 =	sadd.s32 s25, s17;
	[sflag:s20] =	ssyncadd.s32 $0xFFFFFF80  }
0x6f: {  	[tilespmem:s21], [sflag:$0x2] =	stream.linear.gather [hbm4b:s29+s3], $0x80, $0x38;
	[tilespmem:$0x1A100] =	vst v63  }
0x70: {  	_ =	swait.ge [sflag:s20], $0x80  }
0x71: {  	[sflag:s20] =	ssyncset.done $0x0  }
0x72: {  	[sflag:s20] =	ssyncadd.s32 $0xFFFFFF80  }
0x73: {  	[tilespmem:s22], [sflag:$0x1] =	stream.indirect.gather [hbm4b:s4+s21], $0x80, s3, s21, $0xb8;
	[tilespmem:$0x1A100] =	vst v63  }
0x74: {  	_ =	swait.ge [sflag:s23], $0x4000  }
0x75: {  	[sflag:s23] =	ssyncset.done $0x0  }
0x76: {  	[sflag:s23] =	ssyncadd.s32 $0xFFFFC000  }
0x77: {  	[spmem:s1] =	stream.indirect.scatter.add.f32 [tilespmem:s22], [sflag:$0x2], $0x80, s21, s21, $0xb8;
	[tilespmem:$0x1A100] =	vst v63  }
0x78: {  	_ =	swait.ge [sflag:s20], $0x4000  }
0x79: {  	[sflag:s20] =	ssyncset.done $0x0  }
0x7a: {  	[sflag:s20] =	ssyncadd.s32 $0xFFFFC000  }
0x7b: {  	[bflag:$0x0] =	sbarrier.arrive $0xFFFF  }
0x7c: {  	_ =	sdelay $0x7ff  }
0x7d: {  	_ =	sdelay $0x7ff  }
0x7e: {  	_ =	sdelay $0x7ff  }
0x7f: {  	s30 =	sshll.u32 s2, $0x6;
	s24 =	sadd.s32 $0x1, s24;
	_ =	sdelay $0x7ff  }
0x80: {  	s31 =	sshrl.u32 s5, $0x3;
	p0 =	sne.s32 s24, s7;
	_ =	sdelay $0x403  }
.Ltmp2:
0x81: {  	s25 =	sor.u32 $0x1C02, s30;
	[bflag:$0x0] =	sbarrier.arrive $0xFFFF;
	(pc) =	sbr.rel @p0 .LBB2_1-.Ltmp2, $4  }
0x82: {  	[hbm:s6], [sflag:s25] =	dma.local [spmem:s31], $0x2800  }
0x83: {  	_ =	swait.ge [sflag:s20], $0x2800  }
0x84: {  	[sflag:s20] =	ssyncset.done $0x0  }
0x85: {  	[sflag:s20] =	ssyncadd.s32 $0xFFFFD800  }
0x86: {  	_ =	sfence.sel $0x180000  }
0x87: {  	[bflag:$0x0] =	sbarrier.arrive $0xFFFF  }
0x88: {  	p0 =	sne.s32 s2, $0x0;
	_ =	strace $0x9000004A  }
0x89: {  	s0 =	sadd.s32 @!p0 $0x100000, s0;
	[bflag:$0x2] =	sbarrier.arrive $0xFFFF  }
0x8a: {  	[sflag:s0] =	ssyncadd.tile.s32 @!p0 $0x1;
	_ =	shalt  }
.Lfunc_end2:
_tile_overlayer_lowered:
.L_overlay_start_2:
0x8b: {  	(tag) =	ssettag $0x2  }
0x8c: {  	s0 =	rddreg [dreg:$0x0];
	s2 =	stileid.u32  }
0x8d: {  	s1 =	rddreg [dreg:$0x1];
	p0 =	sne.s32 s2, $0x0  }
0x8e: {  	s3 =	rddreg [dreg:$0x2];
	[bflag:$0x3] =	sbarrier.arrive $0xFFFF;
	s2 =	simm.s32 @!p0 $0x1C02  }
0x8f: {  	[timem:s3], [sflag:s2] =	dma.local @!p0 [hbm:s0], s1  }
0x90: {  	s0 =	simm.s32 @!p0 $0x2  }
0x91: {  	_ =	swait.ge @!p0 [sflag:s0], s1  }
0x92: {  	s1 =	ssub.s32 @!p0 $0x0, s1;
	[sflag:s0] =	ssyncset.done @!p0 $0x0  }
0x93: {  	[sflag:s0] =	ssyncadd.s32 @!p0 s1  }
0x94: {  	[bflag:$0x3] =	sbarrier.arrive $0xFFFF  }
0x95: {  	_ =	shalt  }

// kernel: kernel.14.cloned.1.call-start
scs
__scs_entry_jumppad:
0x0: {  	(pc) =	sbr.rel $0x88, $3  }
0x1: {  	(tag) =	ssettag $0x0;
	lr =	simm.s32 $0x1  }
0x2: {  	[smem:$0x3F9B] =	sst lr;
	_ =	strace $0xD0000000  }
0x3: {  	_ = 	snop  }
0x4: {  	_ = 	snop  }
0x5: {  	_ = 	snop  }
0x6: {  	_ = 	snop  }
0x7: {  	_ = 	snop  }
__scs_overlays_trampoline_lowered:
0x8: {  	[smem:$0x3FAA] =	sst s0  }
0x9: {  	[smem:$0x3FAB] =	sst s1  }
0xa: {  	[smem:$0x3FAC] =	sst s2  }
0xb: {  	[smem:$0x3FAD] =	sst s3  }
0xc: {  	[smem:$0x3FAE] =	sst s4  }
0xd: {  	[smem:$0x3FAF] =	sst s5  }
0xe: {  	[smem:$0x3FB0] =	sst s6  }
0xf: {  	[smem:$0x3FB1] =	sst s7  }
0x10: {  	[smem:$0x3FB2] =	sst s8  }
0x11: {  	[smem:$0x3FB3] =	sst s9;
	s0 =	simm.s32 @!p0 $0x0  }
0x12: {  	s1 =	sld [smem:$0x3F99];
	s0 =	simm.s32 @p0 $0x1  }
0x13: {  	[smem:$0x3FB4] =	sst s0;
	s0 =	simm.s32 @!p1 $0x0  }
0x14: {  	s2 =	sld [smem:$0x3F98];
	s0 =	simm.s32 @p1 $0x1  }
0x15: {  	[smem:$0x3FB5] =	sst s0;
	s0 =	simm.s32 @!p2 $0x0  }
0x16: {  	s3 =	sld [smem:$0x3FDB];
	s0 =	simm.s32 @p2 $0x1  }
0x17: {  	s4 =	simm.s32 $0x1BF5;
	[smem:$0x3FB7] =	sst s0  }
0x18: {  	s0 =	sld [smem:$0x3F9A];
	_ =	swait.ge [sflag:s4], $0x0  }
0x19: {  	s7 =	sld [smem:$0x3F9B]  }
0x1a: {  	s8 =	sadd.s32 $0xFFFFE003, lr  }
0x1b: {  	s9 =	sadd.s32 $0xFFFFFEF7, lr;
	s5 =	simm.s32 $0xFFFFFFFF;
	p2 =	slt.u32 s8, $0xFFFFF086  }
0x1c: {  	p1 =	slt.u32 s9, $0xF7A;
	s5 =	simm.s32 @!p2 $0x0  }
0x1d: {  	s5 =	simm.s32 @p1 $0x1;
	p0 =	seq.s32 s7, s2  }
0x1e: {  	s7 =	smul.u32 @!p0 $0xF7A, s2;
	p2 =	seq.s32 @!p0 s5, $0x0  }
0x1f: {  	s9 =	smul.u32 $0xF7A, s1;
	s8 =	simm.s32 @!p0 $0x1BF5;
	p2 =	por !p2, p0  }
0x20: {  	[sflag:s8] =	ssyncset.s32 @!p0 $0xFFFFF086;
	s6 =	sadd.s32 @!p0 s3, s7;
	s7 =	simm.s32 @!p0 $0x108  }
0x21: {  	s3 =	sadd.s32 s3, s9;
	s6 =	sadd.s32 @!p0 $0x88, s6;
	s7 =	simm.s32 @p2 $0x1082  }
0x22: {  	[simem:s7], [sflag:s8] =	dma.local @!p0 [hbm:s6], $0xF7A  }
0x23: {  	s9 =	sor.u32 $0xD0000000, s2;
	s6 =	simm.s32 $0x108;
	_ =	swait.ge @!p0 [sflag:s8], $0x0  }
0x24: {  	s3 =	sadd.s32 $0x88, s3;
	s6 =	simm.s32 @!p1 $0x1082;
	[sflag:s4] =	ssyncset.s32 $0xFFFFF086  }
0x25: {  	[simem:s6], [sflag:s4] =	dma.local [hbm:s3], $0xF7A  }
0x26: {  	[smem:$0x3F9B] =	sst s1;
	(tag) =	ssettag s2;
	_ =	strace s9  }
0x27: {  	s1 =	sld [smem:$0x3FAB]  }
0x28: {  	s2 =	sld [smem:$0x3FAC]  }
0x29: {  	s4 =	sld [smem:$0x3FAE]  }
0x2a: {  	p0 =	seq.s32 s5, $0x0;
	s5 =	sld [smem:$0x3FAF]  }
0x2b: {  	s6 =	sld [smem:$0x3FB0]  }
0x2c: {  	s7 =	sld [smem:$0x3FB1]  }
0x2d: {  	s3 =	simm.s32 $0x108;
	s8 =	sld [smem:$0x3FB2]  }
0x2e: {  	s3 =	simm.s32 @!p0 $0x1082;
	s9 =	sld [smem:$0x3FB3]  }
0x2f: {  	lr =	sadd.s32 s0, s3;
	s0 =	sld [smem:$0x3FAA]  }
0x30: {  	s3 =	sld [smem:$0x3FAD]  }
0x31: {  	[smem:$0x3FB6] =	sst s10  }
0x32: {  	s10 =	sld [smem:$0x3FB4];
	_ =	sdelay $0x3  }
0x33: {  	p0 =	seq.s32 s10, $0x1;
	s10 =	sld [smem:$0x3FB6];
	_ =	sdelay $0x3  }
0x34: {  	[smem:$0x3FB6] =	sst s10  }
0x35: {  	s10 =	sld [smem:$0x3FB5];
	_ =	sdelay $0x3  }
0x36: {  	p1 =	seq.s32 s10, $0x1;
	s10 =	sld [smem:$0x3FB6];
	_ =	sdelay $0x3  }
0x37: {  	[smem:$0x3FB6] =	sst s10  }
0x38: {  	s10 =	sld [smem:$0x3FB7]  }
0x39: {  	_ = 	snop;
	(pc) =	sbr.ind lr, $3  }
0x3a: {  	_ = 	snop  }
0x3b: {  	_ = 	snop  }
0x3c: {  	p2 =	seq.s32 s10, $0x1;
	s10 =	sld [smem:$0x3FB6]  }
0x3d: {  	_ =	shalt  }
0x3e: {  	_ =	shalt  }
0x3f: {  	_ =	shalt  }
0x40: {  	_ =	shalt  }
0x41: {  	_ =	shalt  }
0x42: {  	_ =	shalt  }
0x43: {  	_ =	shalt  }
0x44: {  	_ =	shalt  }
0x45: {  	_ =	shalt  }
0x46: {  	_ =	shalt  }
0x47: {  	_ =	shalt  }
0x48: {  	_ =	shalt  }
0x49: {  	_ =	shalt  }
0x4a: {  	_ =	shalt  }
0x4b: {  	_ =	shalt  }
0x4c: {  	_ =	shalt  }
0x4d: {  	_ =	shalt  }
0x4e: {  	_ =	shalt  }
0x4f: {  	_ =	shalt  }
0x50: {  	_ =	shalt  }
0x51: {  	_ =	shalt  }
0x52: {  	_ =	shalt  }
0x53: {  	_ =	shalt  }
0x54: {  	_ =	shalt  }
0x55: {  	_ =	shalt  }
0x56: {  	_ =	shalt  }
0x57: {  	_ =	shalt  }
0x58: {  	_ =	shalt  }
0x59: {  	_ =	shalt  }
0x5a: {  	_ =	shalt  }
0x5b: {  	_ =	shalt  }
0x5c: {  	_ =	shalt  }
0x5d: {  	_ =	shalt  }
0x5e: {  	_ =	shalt  }
0x5f: {  	_ =	shalt  }
0x60: {  	_ =	shalt  }
0x61: {  	_ =	shalt  }
0x62: {  	_ =	shalt  }
0x63: {  	_ =	shalt  }
0x64: {  	_ =	shalt  }
0x65: {  	_ =	shalt  }
0x66: {  	_ =	shalt  }
0x67: {  	_ =	shalt  }
0x68: {  	_ =	shalt  }
0x69: {  	_ =	shalt  }
0x6a: {  	_ =	shalt  }
0x6b: {  	_ =	shalt  }
0x6c: {  	_ =	shalt  }
0x6d: {  	_ =	shalt  }
0x6e: {  	_ =	shalt  }
0x6f: {  	_ =	shalt  }
0x70: {  	_ =	shalt  }
0x71: {  	_ =	shalt  }
0x72: {  	_ =	shalt  }
0x73: {  	_ =	shalt  }
0x74: {  	_ =	shalt  }
0x75: {  	_ =	shalt  }
0x76: {  	_ =	shalt  }
0x77: {  	_ =	shalt  }
0x78: {  	_ =	shalt  }
0x79: {  	_ =	shalt  }
0x7a: {  	_ =	shalt  }
0x7b: {  	_ =	shalt  }
0x7c: {  	_ =	shalt  }
0x7d: {  	_ =	shalt  }
0x7e: {  	_ =	shalt  }
0x7f: {  	_ =	shalt  }
0x80: {  	_ =	shalt  }
0x81: {  	_ =	shalt  }
0x82: {  	_ =	shalt  }
0x83: {  	_ =	shalt  }
0x84: {  	_ =	shalt  }
0x85: {  	_ =	shalt  }
0x86: {  	_ =	shalt  }
0x87: {  	_ =	shalt  }
.Lfunc_end0:
.L_simem_size_0:
called_computation.2_lowered:
.L_overlay_start_0:
0x88: {  	s2 =	sld [smem:$0x3FD9]  }
0x89: {  	s3 =	sld [smem:$0x3FFE];
	_ =	sdelay $0x1  }
0x8a: {  	s1 =	srdreg.scid  }
0x8b: {  	s0 =	sand.u32 $0x1, s1  }
0x8c: {  	s16 =	sshll.u32 s0, $0xA;
	s2 =	sadd.s32 s3, s2  }
0x8d: {  	s2 =	sadd.s32 s2, s16  }
0x8e: {  	[smem:$0x3FC2] =	sst s2  }
0x8f: {  	_ = 	snop  }
0x90: {  	(tm) =	ssettm $0x1  }
0x91: {  	s17 =	sld [smem:$0x3FFB];
	_ =	sdelay $0x3  }
0x92: {  	_ =	strace s17  }
0x93: {  	s2 =	sld [smem:$0x3FFC];
	_ =	sdelay $0x3  }
0x94: {  	_ =	strace s2  }
0x95: {  	s2 =	sld [smem:$0x3FFD];
	_ =	sdelay $0x3  }
0x96: {  	_ =	strace s2  }
0x97: {  	_ =	strace $0x8FFFFFFF  }
0x98: {  	s18 =	sld [smem:$0x3FDB];
	_ =	sdelay $0x1  }
0x99: {  	s19 =	simm.s32 $_scs_section_size  }
0x9a: {  	s4 =	simm.s32 $_size__tile_overlayer_lowered;
	s5 =	simm.s32 $_tile_overlayer_lowered  }
0x9b: {  	s22 =	simm.s32 $0x1BFF;
	s21 =	sshll.u32 s5, $0x1;
	s2 =	sadd.s32 s19, s18  }
0x9c: {  	s6 =	simm.s32 $0x0;
	s20 =	sshll.u32 s4, $0x1;
	s4 =	sadd.s32 s21, s2  }
0x9d: {  	[timem:s6], [sflag:s22] =	dma.local [hbm:s4], s20  }
0x9e: {  	_ =	swait.ge [sflag:s22], s20  }
0x9f: {  	s3 =	ssub.s32 $0x0, s20;
	[sflag:s22] =	ssyncset.done $0x0  }
0xa0: {  	[sflag:s22] =	ssyncadd.s32 s3;
	_ =	sdelay $0x1  }
0xa1: {  	s23 =	simm.s32 $0x1B8B  }
0xa2: {  	_ =	swait.ge [sflag:s23], $0x1  }
0xa3: {  	[sflag:s23] =	ssyncset.done $0x0  }
0xa4: {  	s25 =	simm.s32 $0x1B8E;
	s24 =	sld [smem:$0x3FFE];
	[sflag:s23] =	ssyncadd.s32 $0xFFFFFFFF  }
0xa5: {  	s26 =	simm.s32 $execute0_lowered;
	[smem:$0x3FD2] =	sst s25  }
0xa6: {  	s4 =	sshll.u32 s26, $0x1;
	_ =	strace $0x8000004C;
	[dreg:$0x1] =	wrdreg $0xFFFFFFFF  }
0xa7: {  	s28 =	simm.s32 $_size_execute0_lowered;
	s2 =	sadd.s32 s2, s4;
	[dreg:$0x0] =	wrdreg $0x0  }
0xa8: {  	s4 =	sshll.u32 s28, $0x1;
	[dreg:$0x2] =	wrdreg s2  }
0xa9: {  	[dreg:$0x3] =	wrdreg s4  }
0xaa: {  	[dreg:$0x4] =	wrdreg $0xC0  }
0xab: {  	_ =	task [dreg:s6], $0x5FFFF  }
0xac: {  	[dreg:$0x1] =	wrdreg $0xFFFFFFFF  }
0xad: {  	[dreg:$0x0] =	wrdreg $0x60  }
0xae: {  	[dreg:$0x2] =	wrdreg s24  }
0xaf: {  	[dreg:$0x3] =	wrdreg $0x61000  }
0xb0: {  	[dreg:$0x4] =	wrdreg $0x9  }
0xb1: {  	_ =	task.clear_ibuf [dreg:s6], $0x5FFFF;
	_ =	strace $0x9000004C  }
0xb2: {  	s29 =	simm.s32 $0x9;
	_ =	strace $0x8000004E  }
0xb3: {  	_ =	swait.ge [sflag:s29], $0x1  }
0xb4: {  	[sflag:s29] =	ssyncadd.s32 $0xFFFFFFFF  }
0xb5: {  	_ =	strace $0x9000004E  }
0xb6: {  	_ =	sfence  }
0xb7: {  	s30 =	sld [smem:$0x0];
	_ =	sdelay $0x2  }
0xb8: {  	s31 =	sshll.u32 s1, $0xD;
	s1 =	sshrl.u32 s1, $0x2  }
0xb9: {  	s3 =	sand.u32 $0x4000, s31;
	s1 =	sadd.s32 s1, s30  }
0xba: {  	s0 =	sor.u32 s3, s0;
	s1 =	sshll.u32 s1, $0x11  }
0xbb: {  	s0 =	sor.u32 s1, s0  }
0xbc: {  	s0 =	sadd.s32 $0x8F2B, s0  }
0xbd: {  	[sflag:s0] =	ssyncadd.remote.s32 $0x1  }
0xbe: {  	_ =	sfence.sel $0xFFFF  }
0xbf: {  	[dreg:$0x0] =	wrdreg $0xFFFFFFFF;
	(pc) =	sbr.abs _section_cstart, $3  }
0xc0: {  	[dreg:$0x1] =	wrdreg $0xFFFFFFFF  }
0xc1: {  	_ =	task.clear_ibuf [dreg:s6], $0x2FFFF;
	_ =	strace $0x9FFFFFFF  }
0xc2: {  	(tm) =	ssettm $0x7FFFFFFF  }
0xc3: {  	_ =	shalt  }
tec
execute0_lowered:
.L_overlay_start_1:
0x0: {  	(tag) =	ssettag $0x1  }
0x1: {  	s5 =	rddreg [dreg:$0x0];
	s0 =	srdreg.scid  }
0x2: {  	s1 =	rddreg [dreg:$0x1];
	s3 =	simm.s32 $0x0;
	s2 =	stileid.u32  }
0x3: {  	s19 =	simm.s32 $0x4100;
	s20 =	simm.s32 $0x2;
	s21 =	simm.s32 $0x80  }
0x4: {  	s22 =	simm.s32 $0x100;
	s23 =	simm.s32 $0x1;
	s9 =	smul.u32 $0x14000, s2  }
0x5: {  	s6 =	sand.u32 $0x1, s0;
	s0 =	rddreg [dreg:$0x2];
	s10 =	smul.u32 $0x50000, s2  }
0x6: {  	s24 =	simm.s32 $0x0;
	[smem:$0x7FF] =	sst s3;
	s7 =	smul.u32 $0x4F00, s6  }
0x7: {  	s4 =	sadd.s32 $0x16400, s5;
	s8 =	smul.u32 $0x140000, s6;
	s6 =	ssub.s32 $0x2, s6  }
0x8: {  	s17 =	smul.u32 $0x4F0, s2;
	_ =	strace $0x8000004D;
	s30 =	sshrl.u32 s6, $0x1  }
0x9: {  	s31 =	sshrl.u32 s10, $0x2;
	s16 =	sadd.s32 s7, s5;
	s29 =	sadd.s32 s9, s8  }
0xa: {  	s8 =	ssub.s32 s6, s30;
	s7 =	sshrl.u32 s29, $0x3;
	s18 =	sadd.s32 s17, s16  }
0xb: {  	s7 =	sadd.s32 s7, s5;
	s5 =	sadd.s32 s31, s1;
	s17 =	sadd.s32 $0x2800, s18  }
0xc: {  	s18 =	sadd.s32 $0xC600, s18;
	s6 =	sadd.s32 $0x3E400, s7;
	s7 =	smax.u32 s8, $0x1  }
0xd: {  	s8 =	sadd.s32 $0x2000, s5;
	s9 =	sadd.s32 $0x4000, s5;
	s10 =	sadd.s32 $0x6000, s5  }
0xe: {  	s11 =	sadd.s32 $0x8000, s5;
	s12 =	sadd.s32 $0xA000, s5;
	s13 =	sadd.s32 $0xC000, s5  }
0xf: {  	v0 =	vimm.f32 $0.0e+00;
	s14 =	sadd.s32 $0xE000, s5;
	s15 =	sadd.s32 $0x10000, s5;
	s16 =	sadd.s32 $0x12000, s5  }
.LBB2_1:
0x10: {  	s25 =	simm.s32 $0x0;
	s26 =	simm.s32 $0x200  }
.LBB2_2:
0x11: {  	p0 =	sne.s32 s26, $0x7E00;
	[tilespmem:s25+$0x4170] =	vst v0  }
0x12: {  	[tilespmem:s25+$0x4100] =	vst v0  }
0x13: {  	[tilespmem:s25+$0x4110] =	vst v0  }
.Ltmp0:
0x14: {  	[tilespmem:s25+$0x4120] =	vst v0;
	(pc) =	sbr.rel @p0 .LBB2_2-.Ltmp0, $4  }
0x15: {  	[tilespmem:s25+$0x4130] =	vst v0  }
0x16: {  	[tilespmem:s25+$0x4140] =	vst v0  }
0x17: {  	[tilespmem:s25+$0x4150] =	vst v0  }
0x18: {  	[tilespmem:s25+$0x4160] =	vst v0;
	s25 =	sshra.s32 s26, $0x2;
	s26 =	sadd.s32 $0x200, s26  }
0x19: {  	[tilespmem:s25+$0x4170] =	vst v0  }
0x1a: {  	[tilespmem:s25+$0x4100] =	vst v0  }
0x1b: {  	[tilespmem:s25+$0x4110] =	vst v0  }
0x1c: {  	[tilespmem:s25+$0x4120] =	vst v0  }
0x1d: {  	[tilespmem:s25+$0x4130] =	vst v0  }
0x1e: {  	[tilespmem:s25+$0x4140] =	vst v0  }
0x1f: {  	[tilespmem:s25+$0x4150] =	vst v0  }
0x20: {  	[tilespmem:s25+$0x4160] =	vst v0  }
0x21: {  	[spmem:s5] =	stream.linear.scatter [tilespmem:s19], [sflag:$0x2], $0x2000, $0x38;
	[tilespmem:$0x1A100] =	vst v63  }
0x22: {  	_ =	swait.ge [sflag:s20], $0x2000  }
0x23: {  	[sflag:s20] =	ssyncset.done $0x0  }
0x24: {  	[sflag:s20] =	ssyncadd.s32 $0xFFFFE000  }
0x25: {  	[spmem:s8] =	stream.linear.scatter [tilespmem:s19], [sflag:$0x2], $0x2000, $0x38;
	[tilespmem:$0x1A100] =	vst v63  }
0x26: {  	_ =	swait.ge [sflag:s20], $0x2000  }
0x27: {  	[sflag:s20] =	ssyncset.done $0x0  }
0x28: {  	[sflag:s20] =	ssyncadd.s32 $0xFFFFE000  }
0x29: {  	[spmem:s9] =	stream.linear.scatter [tilespmem:s19], [sflag:$0x2], $0x2000, $0x38;
	[tilespmem:$0x1A100] =	vst v63  }
0x2a: {  	_ =	swait.ge [sflag:s20], $0x2000  }
0x2b: {  	[sflag:s20] =	ssyncset.done $0x0  }
0x2c: {  	[sflag:s20] =	ssyncadd.s32 $0xFFFFE000  }
0x2d: {  	[spmem:s10] =	stream.linear.scatter [tilespmem:s19], [sflag:$0x2], $0x2000, $0x38;
	[tilespmem:$0x1A100] =	vst v63  }
0x2e: {  	_ =	swait.ge [sflag:s20], $0x2000  }
0x2f: {  	[sflag:s20] =	ssyncset.done $0x0  }
0x30: {  	[sflag:s20] =	ssyncadd.s32 $0xFFFFE000  }
0x31: {  	[spmem:s11] =	stream.linear.scatter [tilespmem:s19], [sflag:$0x2], $0x2000, $0x38;
	[tilespmem:$0x1A100] =	vst v63  }
0x32: {  	_ =	swait.ge [sflag:s20], $0x2000  }
0x33: {  	[sflag:s20] =	ssyncset.done $0x0  }
0x34: {  	[sflag:s20] =	ssyncadd.s32 $0xFFFFE000  }
0x35: {  	[spmem:s12] =	stream.linear.scatter [tilespmem:s19], [sflag:$0x2], $0x2000, $0x38;
	[tilespmem:$0x1A100] =	vst v63  }
0x36: {  	_ =	swait.ge [sflag:s20], $0x2000  }
0x37: {  	[sflag:s20] =	ssyncset.done $0x0  }
0x38: {  	[sflag:s20] =	ssyncadd.s32 $0xFFFFE000  }
0x39: {  	[spmem:s13] =	stream.linear.scatter [tilespmem:s19], [sflag:$0x2], $0x2000, $0x38;
	[tilespmem:$0x1A100] =	vst v63  }
0x3a: {  	_ =	swait.ge [sflag:s20], $0x2000  }
0x3b: {  	[sflag:s20] =	ssyncset.done $0x0  }
0x3c: {  	[sflag:s20] =	ssyncadd.s32 $0xFFFFE000  }
0x3d: {  	[spmem:s14] =	stream.linear.scatter [tilespmem:s19], [sflag:$0x2], $0x2000, $0x38;
	[tilespmem:$0x1A100] =	vst v63  }
0x3e: {  	_ =	swait.ge [sflag:s20], $0x2000  }
0x3f: {  	[sflag:s20] =	ssyncset.done $0x0  }
0x40: {  	[sflag:s20] =	ssyncadd.s32 $0xFFFFE000  }
0x41: {  	[spmem:s15] =	stream.linear.scatter [tilespmem:s19], [sflag:$0x2], $0x2000, $0x38;
	[tilespmem:$0x1A100] =	vst v63  }
0x42: {  	_ =	swait.ge [sflag:s20], $0x2000  }
0x43: {  	[sflag:s20] =	ssyncset.done $0x0  }
0x44: {  	[sflag:s20] =	ssyncadd.s32 $0xFFFFE000  }
0x45: {  	[spmem:s16] =	stream.linear.scatter [tilespmem:s19], [sflag:$0x2], $0x2000, $0x38;
	[tilespmem:$0x1A100] =	vst v63  }
0x46: {  	_ =	swait.ge [sflag:s20], $0x2000  }
0x47: {  	[sflag:s20] =	ssyncset.done $0x0  }
0x48: {  	[sflag:s20] =	ssyncadd.s32 $0xFFFFE000  }
0x49: {  	s30 =	sadd.s32 $0x0, s18;
	[bflag:$0x0] =	sbarrier.arrive $0xFFFF  }
0x4a: {  	[tilespmem:s3], [sflag:$0x2] =	stream.linear.gather [hbm4b:s30+s3], $0x80, $0x38;
	[tilespmem:$0x1A100] =	vst v63  }
0x4b: {  	_ =	swait.ge [sflag:s20], $0x80  }
0x4c: {  	[sflag:s20] =	ssyncset.done $0x0  }
0x4d: {  	s31 =	sadd.s32 $0x0, s17;
	[sflag:s20] =	ssyncadd.s32 $0xFFFFFF80  }
0x4e: {  	[tilespmem:s21], [sflag:$0x2] =	stream.linear.gather [hbm4b:s31+s3], $0x80, $0x38;
	[tilespmem:$0x1A100] =	vst v63  }
0x4f: {  	_ =	swait.ge [sflag:s20], $0x80  }
0x50: {  	[sflag:s20] =	ssyncset.done $0x0  }
0x51: {  	[sflag:s20] =	ssyncadd.s32 $0xFFFFFF80  }
0x52: {  	[tilespmem:s22], [sflag:$0x1] =	stream.indirect.gather [hbm4b:s4+s21], $0x80, s3, s21, $0xb8;
	[tilespmem:$0x1A100] =	vst v63  }
0x53: {  	_ =	swait.ge [sflag:s23], $0x4000  }
0x54: {  	[sflag:s23] =	ssyncset.done $0x0  }
0x55: {  	[sflag:s23] =	ssyncadd.s32 $0xFFFFC000  }
0x56: {  	[spmem:s1] =	stream.indirect.scatter.add.f32 [tilespmem:s22], [sflag:$0x2], $0x80, s21, s21, $0xb8;
	[tilespmem:$0x1A100] =	vst v63  }
0x57: {  	_ =	swait.ge [sflag:s20], $0x4000  }
0x58: {  	s25 =	simm.s32 $0x10;
	s26 =	simm.s32 $0x20;
	[sflag:s20] =	ssyncset.done $0x0  }
.LBB2_4:
0x59: {  	s28 =	sadd.s32 s25, s18  }
0x5a: {  	[sflag:s20] =	ssyncadd.s32 $0xFFFFC000;
	s29 =	smov.u32 s26;
	s30 =	sadd.s32 $0x10, s26  }
0x5b: {  	[tilespmem:s3], [sflag:$0x2] =	stream.linear.gather [hbm4b:s28+s3], $0x80, $0x38;
	[tilespmem:$0x1A100] =	vst v63  }
0x5c: {  	p0 =	sne.s32 s26, $0x4E0;
	_ =	swait.ge [sflag:s20], $0x80  }
0x5d: {  	[sflag:s20] =	ssyncset.done $0x0  }
0x5e: {  	s26 =	sadd.s32 s25, s17;
	s25 =	smov.u32 s29;
	[sflag:s20] =	ssyncadd.s32 $0xFFFFFF80  }
0x5f: {  	[tilespmem:s21], [sflag:$0x2] =	stream.linear.gather [hbm4b:s26+s3], $0x80, $0x38;
	[tilespmem:$0x1A100] =	vst v63  }
0x60: {  	_ =	swait.ge [sflag:s20], $0x80  }
0x61: {  	[sflag:s20] =	ssyncset.done $0x0  }
0x62: {  	[sflag:s20] =	ssyncadd.s32 $0xFFFFFF80  }
0x63: {  	[tilespmem:s22], [sflag:$0x1] =	stream.indirect.gather [hbm4b:s4+s21], $0x80, s3, s21, $0xb8;
	[tilespmem:$0x1A100] =	vst v63  }
0x64: {  	_ =	swait.ge [sflag:s23], $0x4000  }
.Ltmp1:
0x65: {  	[sflag:s23] =	ssyncset.done $0x0;
	(pc) =	sbr.rel @p0 .LBB2_4-.Ltmp1, $4  }
0x66: {  	[sflag:s23] =	ssyncadd.s32 $0xFFFFC000  }
0x67: {  	[spmem:s1] =	stream.indirect.scatter.add.f32 [tilespmem:s22], [sflag:$0x2], $0x80, s21, s21, $0xb8;
	[tilespmem:$0x1A100] =	vst v63  }
0x68: {  	_ =	swait.ge [sflag:s20], $0x4000  }
0x69: {  	s26 =	smov.u32 s30;
	[sflag:s20] =	ssyncset.done $0x0  }
0x6a: {  	s26 =	sadd.s32 s25, s18;
	[sflag:s20] =	ssyncadd.s32 $0xFFFFC000  }
0x6b: {  	[tilespmem:s3], [sflag:$0x2] =	stream.linear.gather [hbm4b:s26+s3], $0x80, $0x38;
	[tilespmem:$0x1A100] =	vst v63  }
0x6c: {  	_ =	swait.ge [sflag:s20], $0x80  }
0x6d: {  	[sflag:s20] =	ssyncset.done $0x0  }
0x6e: {  	s29 =	sadd.s32 s25, s17;
	[sflag:s20] =	ssyncadd.s32 $0xFFFFFF80  }
0x6f: {  	[tilespmem:s21], [sflag:$0x2] =	stream.linear.gather [hbm4b:s29+s3], $0x80, $0x38;
	[tilespmem:$0x1A100] =	vst v63  }
0x70: {  	_ =	swait.ge [sflag:s20], $0x80  }
0x71: {  	[sflag:s20] =	ssyncset.done $0x0  }
0x72: {  	[sflag:s20] =	ssyncadd.s32 $0xFFFFFF80  }
0x73: {  	[tilespmem:s22], [sflag:$0x1] =	stream.indirect.gather [hbm4b:s4+s21], $0x80, s3, s21, $0xb8;
	[tilespmem:$0x1A100] =	vst v63  }
0x74: {  	_ =	swait.ge [sflag:s23], $0x4000  }
0x75: {  	[sflag:s23] =	ssyncset.done $0x0  }
0x76: {  	[sflag:s23] =	ssyncadd.s32 $0xFFFFC000  }
0x77: {  	[spmem:s1] =	stream.indirect.scatter.add.f32 [tilespmem:s22], [sflag:$0x2], $0x80, s21, s21, $0xb8;
	[tilespmem:$0x1A100] =	vst v63  }
0x78: {  	_ =	swait.ge [sflag:s20], $0x4000  }
0x79: {  	[sflag:s20] =	ssyncset.done $0x0  }
0x7a: {  	[sflag:s20] =	ssyncadd.s32 $0xFFFFC000  }
0x7b: {  	[bflag:$0x0] =	sbarrier.arrive $0xFFFF  }
0x7c: {  	_ =	sdelay $0x7ff  }
0x7d: {  	_ =	sdelay $0x7ff  }
0x7e: {  	_ =	sdelay $0x7ff  }
0x7f: {  	s30 =	sshll.u32 s2, $0x6;
	s24 =	sadd.s32 $0x1, s24;
	_ =	sdelay $0x7ff  }
0x80: {  	s31 =	sshrl.u32 s5, $0x3;
	p0 =	sne.s32 s24, s7;
	_ =	sdelay $0x403  }
.Ltmp2:
0x81: {  	s25 =	sor.u32 $0x1C02, s30;
	[bflag:$0x0] =	sbarrier.arrive $0xFFFF;
	(pc) =	sbr.rel @p0 .LBB2_1-.Ltmp2, $4  }
0x82: {  	[hbm:s6], [sflag:s25] =	dma.local [spmem:s31], $0x2800  }
0x83: {  	_ =	swait.ge [sflag:s20], $0x2800  }
0x84: {  	[sflag:s20] =	ssyncset.done $0x0  }
0x85: {  	[sflag:s20] =	ssyncadd.s32 $0xFFFFD800  }
0x86: {  	_ =	sfence.sel $0x180000  }
0x87: {  	[bflag:$0x0] =	sbarrier.arrive $0xFFFF  }
0x88: {  	p0 =	sne.s32 s2, $0x0;
	_ =	strace $0x9000004D  }
0x89: {  	s0 =	sadd.s32 @!p0 $0x100000, s0;
	[bflag:$0x2] =	sbarrier.arrive $0xFFFF  }
0x8a: {  	[sflag:s0] =	ssyncadd.tile.s32 @!p0 $0x1;
	_ =	shalt  }
.Lfunc_end2:
_tile_overlayer_lowered:
.L_overlay_start_2:
0x8b: {  	(tag) =	ssettag $0x2  }
0x8c: {  	s0 =	rddreg [dreg:$0x0];
	s2 =	stileid.u32  }
0x8d: {  	s1 =	rddreg [dreg:$0x1];
	p0 =	sne.s32 s2, $0x0  }
0x8e: {  	s3 =	rddreg [dreg:$0x2];
	[bflag:$0x3] =	sbarrier.arrive $0xFFFF;
	s2 =	simm.s32 @!p0 $0x1C02  }
0x8f: {  	[timem:s3], [sflag:s2] =	dma.local @!p0 [hbm:s0], s1  }
0x90: {  	s0 =	simm.s32 @!p0 $0x2  }
0x91: {  	_ =	swait.ge @!p0 [sflag:s0], s1  }
0x92: {  	s1 =	ssub.s32 @!p0 $0x0, s1;
	[sflag:s0] =	ssyncset.done @!p0 $0x0  }
0x93: {  	[sflag:s0] =	ssyncadd.s32 @!p0 s1  }
0x94: {  	[bflag:$0x3] =	sbarrier.arrive $0xFFFF  }
0x95: {  	_ =	shalt  }

// kernel: kernel.8.cloned.1.call-start
scs
__scs_entry_jumppad:
0x0: {  	(pc) =	sbr.rel $0x88, $3  }
0x1: {  	(tag) =	ssettag $0x0;
	lr =	simm.s32 $0x1  }
0x2: {  	[smem:$0x3F9B] =	sst lr;
	_ =	strace $0xD0000000  }
0x3: {  	_ = 	snop  }
0x4: {  	_ = 	snop  }
0x5: {  	_ = 	snop  }
0x6: {  	_ = 	snop  }
0x7: {  	_ = 	snop  }
__scs_overlays_trampoline_lowered:
0x8: {  	[smem:$0x3FAA] =	sst s0  }
0x9: {  	[smem:$0x3FAB] =	sst s1  }
0xa: {  	[smem:$0x3FAC] =	sst s2  }
0xb: {  	[smem:$0x3FAD] =	sst s3  }
0xc: {  	[smem:$0x3FAE] =	sst s4  }
0xd: {  	[smem:$0x3FAF] =	sst s5  }
0xe: {  	[smem:$0x3FB0] =	sst s6  }
0xf: {  	[smem:$0x3FB1] =	sst s7  }
0x10: {  	[smem:$0x3FB2] =	sst s8  }
0x11: {  	[smem:$0x3FB3] =	sst s9;
	s0 =	simm.s32 @!p0 $0x0  }
0x12: {  	s1 =	sld [smem:$0x3F99];
	s0 =	simm.s32 @p0 $0x1  }
0x13: {  	[smem:$0x3FB4] =	sst s0;
	s0 =	simm.s32 @!p1 $0x0  }
0x14: {  	s2 =	sld [smem:$0x3F98];
	s0 =	simm.s32 @p1 $0x1  }
0x15: {  	[smem:$0x3FB5] =	sst s0;
	s0 =	simm.s32 @!p2 $0x0  }
0x16: {  	s3 =	sld [smem:$0x3FDB];
	s0 =	simm.s32 @p2 $0x1  }
0x17: {  	s4 =	simm.s32 $0x1BF5;
	[smem:$0x3FB7] =	sst s0  }
0x18: {  	s0 =	sld [smem:$0x3F9A];
	_ =	swait.ge [sflag:s4], $0x0  }
0x19: {  	s7 =	sld [smem:$0x3F9B]  }
0x1a: {  	s8 =	sadd.s32 $0xFFFFE003, lr  }
0x1b: {  	s9 =	sadd.s32 $0xFFFFFEF7, lr;
	s5 =	simm.s32 $0xFFFFFFFF;
	p2 =	slt.u32 s8, $0xFFFFF086  }
0x1c: {  	p1 =	slt.u32 s9, $0xF7A;
	s5 =	simm.s32 @!p2 $0x0  }
0x1d: {  	s5 =	simm.s32 @p1 $0x1;
	p0 =	seq.s32 s7, s2  }
0x1e: {  	s7 =	smul.u32 @!p0 $0xF7A, s2;
	p2 =	seq.s32 @!p0 s5, $0x0  }
0x1f: {  	s9 =	smul.u32 $0xF7A, s1;
	s8 =	simm.s32 @!p0 $0x1BF5;
	p2 =	por !p2, p0  }
0x20: {  	[sflag:s8] =	ssyncset.s32 @!p0 $0xFFFFF086;
	s6 =	sadd.s32 @!p0 s3, s7;
	s7 =	simm.s32 @!p0 $0x108  }
0x21: {  	s3 =	sadd.s32 s3, s9;
	s6 =	sadd.s32 @!p0 $0x88, s6;
	s7 =	simm.s32 @p2 $0x1082  }
0x22: {  	[simem:s7], [sflag:s8] =	dma.local @!p0 [hbm:s6], $0xF7A  }
0x23: {  	s9 =	sor.u32 $0xD0000000, s2;
	s6 =	simm.s32 $0x108;
	_ =	swait.ge @!p0 [sflag:s8], $0x0  }
0x24: {  	s3 =	sadd.s32 $0x88, s3;
	s6 =	simm.s32 @!p1 $0x1082;
	[sflag:s4] =	ssyncset.s32 $0xFFFFF086  }
0x25: {  	[simem:s6], [sflag:s4] =	dma.local [hbm:s3], $0xF7A  }
0x26: {  	[smem:$0x3F9B] =	sst s1;
	(tag) =	ssettag s2;
	_ =	strace s9  }
0x27: {  	s1 =	sld [smem:$0x3FAB]  }
0x28: {  	s2 =	sld [smem:$0x3FAC]  }
0x29: {  	s4 =	sld [smem:$0x3FAE]  }
0x2a: {  	p0 =	seq.s32 s5, $0x0;
	s5 =	sld [smem:$0x3FAF]  }
0x2b: {  	s6 =	sld [smem:$0x3FB0]  }
0x2c: {  	s7 =	sld [smem:$0x3FB1]  }
0x2d: {  	s3 =	simm.s32 $0x108;
	s8 =	sld [smem:$0x3FB2]  }
0x2e: {  	s3 =	simm.s32 @!p0 $0x1082;
	s9 =	sld [smem:$0x3FB3]  }
0x2f: {  	lr =	sadd.s32 s0, s3;
	s0 =	sld [smem:$0x3FAA]  }
0x30: {  	s3 =	sld [smem:$0x3FAD]  }
0x31: {  	[smem:$0x3FB6] =	sst s10  }
0x32: {  	s10 =	sld [smem:$0x3FB4];
	_ =	sdelay $0x3  }
0x33: {  	p0 =	seq.s32 s10, $0x1;
	s10 =	sld [smem:$0x3FB6];
	_ =	sdelay $0x3  }
0x34: {  	[smem:$0x3FB6] =	sst s10  }
0x35: {  	s10 =	sld [smem:$0x3FB5];
	_ =	sdelay $0x3  }
0x36: {  	p1 =	seq.s32 s10, $0x1;
	s10 =	sld [smem:$0x3FB6];
	_ =	sdelay $0x3  }
0x37: {  	[smem:$0x3FB6] =	sst s10  }
0x38: {  	s10 =	sld [smem:$0x3FB7]  }
0x39: {  	_ = 	snop;
	(pc) =	sbr.ind lr, $3  }
0x3a: {  	_ = 	snop  }
0x3b: {  	_ = 	snop  }
0x3c: {  	p2 =	seq.s32 s10, $0x1;
	s10 =	sld [smem:$0x3FB6]  }
0x3d: {  	_ =	shalt  }
0x3e: {  	_ =	shalt  }
0x3f: {  	_ =	shalt  }
0x40: {  	_ =	shalt  }
0x41: {  	_ =	shalt  }
0x42: {  	_ =	shalt  }
0x43: {  	_ =	shalt  }
0x44: {  	_ =	shalt  }
0x45: {  	_ =	shalt  }
0x46: {  	_ =	shalt  }
0x47: {  	_ =	shalt  }
0x48: {  	_ =	shalt  }
0x49: {  	_ =	shalt  }
0x4a: {  	_ =	shalt  }
0x4b: {  	_ =	shalt  }
0x4c: {  	_ =	shalt  }
0x4d: {  	_ =	shalt  }
0x4e: {  	_ =	shalt  }
0x4f: {  	_ =	shalt  }
0x50: {  	_ =	shalt  }
0x51: {  	_ =	shalt  }
0x52: {  	_ =	shalt  }
0x53: {  	_ =	shalt  }
0x54: {  	_ =	shalt  }
0x55: {  	_ =	shalt  }
0x56: {  	_ =	shalt  }
0x57: {  	_ =	shalt  }
0x58: {  	_ =	shalt  }
0x59: {  	_ =	shalt  }
0x5a: {  	_ =	shalt  }
0x5b: {  	_ =	shalt  }
0x5c: {  	_ =	shalt  }
0x5d: {  	_ =	shalt  }
0x5e: {  	_ =	shalt  }
0x5f: {  	_ =	shalt  }
0x60: {  	_ =	shalt  }
0x61: {  	_ =	shalt  }
0x62: {  	_ =	shalt  }
0x63: {  	_ =	shalt  }
0x64: {  	_ =	shalt  }
0x65: {  	_ =	shalt  }
0x66: {  	_ =	shalt  }
0x67: {  	_ =	shalt  }
0x68: {  	_ =	shalt  }
0x69: {  	_ =	shalt  }
0x6a: {  	_ =	shalt  }
0x6b: {  	_ =	shalt  }
0x6c: {  	_ =	shalt  }
0x6d: {  	_ =	shalt  }
0x6e: {  	_ =	shalt  }
0x6f: {  	_ =	shalt  }
0x70: {  	_ =	shalt  }
0x71: {  	_ =	shalt  }
0x72: {  	_ =	shalt  }
0x73: {  	_ =	shalt  }
0x74: {  	_ =	shalt  }
0x75: {  	_ =	shalt  }
0x76: {  	_ =	shalt  }
0x77: {  	_ =	shalt  }
0x78: {  	_ =	shalt  }
0x79: {  	_ =	shalt  }
0x7a: {  	_ =	shalt  }
0x7b: {  	_ =	shalt  }
0x7c: {  	_ =	shalt  }
0x7d: {  	_ =	shalt  }
0x7e: {  	_ =	shalt  }
0x7f: {  	_ =	shalt  }
0x80: {  	_ =	shalt  }
0x81: {  	_ =	shalt  }
0x82: {  	_ =	shalt  }
0x83: {  	_ =	shalt  }
0x84: {  	_ =	shalt  }
0x85: {  	_ =	shalt  }
0x86: {  	_ =	shalt  }
0x87: {  	_ =	shalt  }
.Lfunc_end0:
.L_simem_size_0:
called_computation_lowered:
.L_overlay_start_0:
0x88: {  	s2 =	sld [smem:$0x3FD9]  }
0x89: {  	s3 =	sld [smem:$0x3FFE];
	_ =	sdelay $0x1  }
0x8a: {  	s1 =	srdreg.scid  }
0x8b: {  	s0 =	sand.u32 $0x1, s1  }
0x8c: {  	s17 =	sshll.u32 s0, $0xA;
	s2 =	sadd.s32 s3, s2  }
0x8d: {  	s2 =	sadd.s32 s2, s17  }
0x8e: {  	[smem:$0x3FC2] =	sst s2  }
0x8f: {  	_ = 	snop  }
0x90: {  	s2 =	sld [smem:$0x3FD0];
	(tm) =	ssettm $0x1  }
0x91: {  	s18 =	sld [smem:$0x3FFB];
	_ =	sdelay $0x3  }
0x92: {  	_ =	strace s18  }
0x93: {  	s3 =	sld [smem:$0x3FFC];
	_ =	sdelay $0x3  }
0x94: {  	_ =	strace s3  }
0x95: {  	s3 =	sld [smem:$0x3FFD];
	_ =	sdelay $0x3  }
0x96: {  	_ =	strace s3  }
0x97: {  	_ =	strace $0x8FFFFFFF  }
0x98: {  	s19 =	sld [smem:$0x3FDB];
	_ =	sdelay $0x1  }
0x99: {  	s4 =	simm.s32 $_scs_section_size  }
0x9a: {  	s5 =	simm.s32 $_size__tile_overlayer_lowered;
	s6 =	simm.s32 $_tile_overlayer_lowered  }
0x9b: {  	s22 =	simm.s32 $0x1BFF;
	s21 =	sshll.u32 s6, $0x1;
	s3 =	sadd.s32 s4, s19  }
0x9c: {  	s7 =	simm.s32 $0x0;
	s20 =	sshll.u32 s5, $0x1;
	s5 =	sadd.s32 s21, s3  }
0x9d: {  	[timem:s7], [sflag:s22] =	dma.local [hbm:s5], s20  }
0x9e: {  	_ =	swait.ge [sflag:s22], s20  }
0x9f: {  	s4 =	ssub.s32 $0x0, s20;
	[sflag:s22] =	ssyncset.done $0x0  }
0xa0: {  	[sflag:s22] =	ssyncadd.s32 s4;
	_ =	sdelay $0x1  }
0xa1: {  	s23 =	simm.s32 $0x1B8B  }
0xa2: {  	_ =	swait.ge [sflag:s23], $0x1  }
0xa3: {  	[sflag:s23] =	ssyncset.done $0x0  }
0xa4: {  	s25 =	simm.s32 $0x1B8E;
	s24 =	sld [smem:$0x3FFE];
	[sflag:s23] =	ssyncadd.s32 $0xFFFFFFFF  }
0xa5: {  	s26 =	simm.s32 $execute0_lowered;
	[smem:$0x3FD2] =	sst s25  }
0xa6: {  	s5 =	sshll.u32 s26, $0x1;
	_ =	strace $0x80000046;
	[dreg:$0x1] =	wrdreg $0xFFFFFFFF  }
0xa7: {  	s28 =	simm.s32 $_size_execute0_lowered;
	s3 =	sadd.s32 s3, s5;
	[dreg:$0x0] =	wrdreg $0x0  }
0xa8: {  	s5 =	sshll.u32 s28, $0x1;
	[dreg:$0x2] =	wrdreg s3  }
0xa9: {  	[dreg:$0x3] =	wrdreg s5  }
0xaa: {  	[dreg:$0x4] =	wrdreg $0xC0  }
0xab: {  	_ =	task [dreg:s7], $0x5FFFF  }
0xac: {  	[dreg:$0x1] =	wrdreg $0xFFFFFFFF  }
0xad: {  	[dreg:$0x0] =	wrdreg $0x60  }
0xae: {  	[dreg:$0x2] =	wrdreg s24  }
0xaf: {  	[dreg:$0x3] =	wrdreg s2  }
0xb0: {  	[dreg:$0x4] =	wrdreg $0x9  }
0xb1: {  	_ =	task.clear_ibuf [dreg:s7], $0x5FFFF;
	_ =	strace $0x90000046  }
0xb2: {  	s29 =	simm.s32 $0x9;
	_ =	strace $0x80000048  }
0xb3: {  	_ =	swait.ge [sflag:s29], $0x1  }
0xb4: {  	[sflag:s29] =	ssyncadd.s32 $0xFFFFFFFF  }
0xb5: {  	_ =	strace $0x90000048  }
0xb6: {  	_ =	sfence  }
0xb7: {  	s30 =	sld [smem:$0x0];
	_ =	sdelay $0x2  }
0xb8: {  	s31 =	sshll.u32 s1, $0xD;
	s1 =	sshrl.u32 s1, $0x2  }
0xb9: {  	s3 =	sand.u32 $0x4000, s31;
	s1 =	sadd.s32 s1, s30  }
0xba: {  	s0 =	sor.u32 s3, s0;
	s1 =	sshll.u32 s1, $0x11  }
0xbb: {  	s0 =	sor.u32 s1, s0  }
0xbc: {  	s0 =	sadd.s32 $0x8F2B, s0  }
0xbd: {  	[sflag:s0] =	ssyncadd.remote.s32 $0x1  }
0xbe: {  	_ =	sfence.sel $0xFFFF  }
0xbf: {  	[dreg:$0x0] =	wrdreg $0xFFFFFFFF;
	(pc) =	sbr.abs _section_cstart, $3  }
0xc0: {  	[dreg:$0x1] =	wrdreg $0xFFFFFFFF  }
0xc1: {  	_ =	task.clear_ibuf [dreg:s7], $0x2FFFF;
	_ =	strace $0x9FFFFFFF  }
0xc2: {  	(tm) =	ssettm $0x7FFFFFFF  }
0xc3: {  	_ =	shalt  }
tec
execute0_lowered:
.L_overlay_start_1:
0x0: {  	(tag) =	ssettag $0x1  }
0x1: {  	s4 =	rddreg [dreg:$0x0]  }
0x2: {  	s0 =	srdreg.scid;
	s5 =	rddreg [dreg:$0x1];
	s2 =	simm.s32 $0x0  }
0x3: {  	s9 =	simm.s32 $0x0;
	s3 =	sand.u32 $0x1, s0;
	s0 =	stileid.u32  }
0x4: {  	[smem:$0x7FF] =	sst s2;
	s1 =	sshll.u32 s3, $0x4;
	s7 =	sshll.u32 s0, $0x7  }
0x5: {  	s8 =	smul.u32 $0x4F00, s3;
	s3 =	ssub.s32 $0x2, s3;
	s6 =	sor.u32 s0, s1  }
0x6: {  	s29 =	smul.u32 $0x4F0, s0;
	s1 =	rddreg [dreg:$0x2];
	s6 =	sshrl.u32 s6, $0x3  }
0x7: {  	_ =	strace $0x80000047;
	s30 =	sshrl.u32 s3, $0x1;
	s6 =	smul.u32 $0x14000, s6  }
0x8: {  	s7 =	sand.u32 $0x380, s7;
	s4 =	sadd.s32 s8, s4;
	s8 =	ssub.s32 s3, s30  }
0x9: {  	s31 =	sadd.s32 s29, s4;
	s4 =	smax.u32 s8, $0x1;
	s6 =	sor.u32 s7, s6  }
0xa: {  	s8 =	simm.s32 $0x400;
	s7 =	simm.s32 $0x80;
	s6 =	sshrl.u32 s6, $0x3  }
0xb: {  	v0 =	vimm.f32 $0.0e+00;
	v1 =	vimm.f32 $1.000000000e+00;
	s3 =	sadd.s32 s5, s6;
	s5 =	sadd.s32 $0x2800, s31;
	s6 =	simm.s32 $0x1  }
.LBB2_1:
0xc: {  	s10 =	simm.s32 $0x0  }
.LBB2_2:
0xd: {  	p0 =	sne.s32 s10, $0x9FC0  }
.Ltmp0:
0xe: {  	_ = 	snop;
	(pc) =	sbr.rel @p0 .LBB2_2-.Ltmp0, $3  }
0xf: {  	_ =	sdelay $0x1  }
0x10: {  	s11 =	sshra.s32 s10, $0x2  }
0x11: {  	s10 =	sadd.s32 $0x40, s10;
	[tilespmem:s11+$0x80] =	vst v0  }
0x12: {  	s10 =	simm.s32 $0x0  }
.LBB2_4:
0x13: {  	s11 =	sadd.s32 s10, s5  }
0x14: {  	[tilespmem:s2], [sflag:$0x1] =	stream.linear.gather [hbm4b:s11+s2], $0x80, $0x38;
	[tilespmem:$0x2880] =	vst v63  }
0x15: {  	_ =	swait.ge [sflag:s6], $0x80  }
0x16: {  	[sflag:s6] =	ssyncset.done $0x0  }
0x17: {  	[sflag:s6] =	ssyncadd.s32 $0xFFFFFF80  }
0x18: {  	v2 =	vld [tilespmem:$0x0];
	_ =	sdelay $0x7  }
0x19: {  	[tilespmem:v2+s7+$0x0] =	vst.idx.add.f32.msk $0xffff, v1  }
0x1a: {  	v2 =	vld [tilespmem:$0x10];
	_ =	sdelay $0x7  }
0x1b: {  	[tilespmem:v2+s7+$0x0] =	vst.idx.add.f32.msk $0xffff, v1  }
0x1c: {  	v2 =	vld [tilespmem:$0x20];
	_ =	sdelay $0x7  }
0x1d: {  	[tilespmem:v2+s7+$0x0] =	vst.idx.add.f32.msk $0xffff, v1  }
0x1e: {  	v2 =	vld [tilespmem:$0x30];
	_ =	sdelay $0x7  }
0x1f: {  	[tilespmem:v2+s7+$0x0] =	vst.idx.add.f32.msk $0xffff, v1  }
0x20: {  	v2 =	vld [tilespmem:$0x40];
	_ =	sdelay $0x7  }
0x21: {  	[tilespmem:v2+s7+$0x0] =	vst.idx.add.f32.msk $0xffff, v1  }
0x22: {  	v2 =	vld [tilespmem:$0x50];
	_ =	sdelay $0x7  }
0x23: {  	[tilespmem:v2+s7+$0x0] =	vst.idx.add.f32.msk $0xffff, v1  }
0x24: {  	v2 =	vld [tilespmem:$0x60];
	_ =	sdelay $0x7  }
0x25: {  	[tilespmem:v2+s7+$0x0] =	vst.idx.add.f32.msk $0xffff, v1  }
0x26: {  	v2 =	vld [tilespmem:$0x70];
	_ =	sdelay $0x2  }
0x27: {  	p0 =	sne.s32 s10, $0x4E0  }
.Ltmp1:
0x28: {  	_ = 	snop;
	(pc) =	sbr.rel @p0 .LBB2_4-.Ltmp1, $2  }
0x29: {  	_ =	sdelay $0x2  }
0x2a: {  	s10 =	sadd.s32 $0x10, s10;
	[tilespmem:v2+s7+$0x0] =	vst.idx.add.f32.msk $0xffff, v1  }
0x2b: {  	s9 =	sadd.s32 $0x1, s9  }
0x2c: {  	p0 =	sne.s32 s9, s4  }
.Ltmp2:
0x2d: {  	_ = 	snop;
	(pc) =	sbr.rel @p0 .LBB2_1-.Ltmp2, $4  }
0x2e: {  	[hbm4b:s3+s7] =	stream.strided.scatter [tilespmem:s7], [sflag:$0x1], $0x2800, s8, s7, $0x38;
	[tilespmem:$0x2880] =	vst v63  }
0x2f: {  	_ =	swait.ge [sflag:s6], $0x2800  }
0x30: {  	[sflag:s6] =	ssyncset.done $0x0  }
0x31: {  	[sflag:s6] =	ssyncadd.s32 $0xFFFFD800  }
0x32: {  	_ =	sfence.sel $0x180000  }
0x33: {  	[bflag:$0x0] =	sbarrier.arrive $0xFFFF  }
0x34: {  	p0 =	sne.s32 s0, $0x0;
	_ =	strace $0x90000047  }
0x35: {  	s0 =	sadd.s32 @!p0 $0x100000, s1;
	[bflag:$0x2] =	sbarrier.arrive $0xFFFF  }
0x36: {  	[sflag:s0] =	ssyncadd.tile.s32 @!p0 $0x1;
	_ =	shalt  }
.Lfunc_end2:
_tile_overlayer_lowered:
.L_overlay_start_2:
0x37: {  	(tag) =	ssettag $0x2  }
0x38: {  	s0 =	rddreg [dreg:$0x0];
	s2 =	stileid.u32  }
0x39: {  	s1 =	rddreg [dreg:$0x1];
	p0 =	sne.s32 s2, $0x0  }
0x3a: {  	s3 =	rddreg [dreg:$0x2];
	[bflag:$0x3] =	sbarrier.arrive $0xFFFF;
	s2 =	simm.s32 @!p0 $0x1C01  }
0x3b: {  	[timem:s3], [sflag:s2] =	dma.local @!p0 [hbm:s0], s1  }
0x3c: {  	s0 =	simm.s32 @!p0 $0x1  }
0x3d: {  	_ =	swait.ge @!p0 [sflag:s0], s1  }
0x3e: {  	s1 =	ssub.s32 @!p0 $0x0, s1;
	[sflag:s0] =	ssyncset.done @!p0 $0x0  }
0x3f: {  	[sflag:s0] =	ssyncadd.s32 @!p0 s1  }
0x40: {  	[bflag:$0x3] =	sbarrier.arrive $0xFFFF  }
0x41: {  	_ =	shalt  }

</sc_bundles>
